<compile_context>
chip_gen: v7x
topology: tpu7x:2x2x1
jax: 0.10.2.dev20260603
libtpu: 0.0.44.dev20260713+nightly
codegen_flags: <defaults>
</compile_context>

<pallas_src>
import functools

import jax
import jax.numpy as jnp
from jax import lax
from jax.experimental import pallas as pl
from jax.experimental.pallas import tpu as pltpu
from jax.experimental.pallas import tpu_sc as plsc

_B, _L, _V = 1024, 50, 1000
_N = _B * _L
_VP = 1024

_info = plsc.get_sparse_core_info()
_NC, _NS, _LANES = _info.num_cores, _info.num_subcores, _info.num_lanes
_NW = _NC * _NS
_RW = _N // _NW
_GCH = 16
_GNCH = _RW // _GCH
_CH = 64
_NCH = _RW // _CH


def _lse_body(table_ref, out_ref):
    t = table_ref[...]
    m = jnp.max(t, axis=1)
    s = jnp.sum(jnp.exp(t - m[:, None]), axis=1)
    out_ref[...] = m + jnp.log(s)


def _row_lse(table):
    return pl.pallas_call(
        _lse_body,
        out_shape=jax.ShapeDtypeStruct((_V,), jnp.float32),
    )(table)


def _flat_body(table_hbm, tflat_hbm, stage_v, sem):
    t = lax.axis_index("s") * _NC + lax.axis_index("c")
    start = 31 * t + jnp.minimum(t, 8)
    count = jnp.where(t < 8, 32, 31)

    def fire_in(j, carry):
        @pl.when(j < count)
        def _():
            pltpu.async_copy(table_hbm.at[start + j], stage_v.at[j], sem)
        return carry

    def drain_in(j, carry):
        @pl.when(j < count)
        def _():
            pltpu.make_async_copy(table_hbm.at[0], stage_v.at[0], sem).wait()
        return carry

    def fire_out(j, carry):
        @pl.when(j < count)
        def _():
            pltpu.async_copy(stage_v.at[j],
                             tflat_hbm.at[pl.ds((start + j) * _V, _V)], sem)
        return carry

    def drain_out(j, carry):
        @pl.when(j < count)
        def _():
            pltpu.make_async_copy(stage_v.at[0],
                                  tflat_hbm.at[pl.ds(0, _V)], sem).wait()
        return carry

    lax.fori_loop(0, 32, fire_in, 0)
    lax.fori_loop(0, 32, drain_in, 0)
    lax.fori_loop(0, 32, fire_out, 0)
    lax.fori_loop(0, 32, drain_out, 0)


def _flatten_table(table):
    mesh = plsc.VectorSubcoreMesh(core_axis_name="c", subcore_axis_name="s")
    fn = pl.kernel(
        _flat_body,
        out_type=jax.ShapeDtypeStruct((_V * _V,), jnp.float32),
        mesh=mesh,
        compiler_params=pltpu.CompilerParams(use_tc_tiling_on_sc=False),
        scratch_types=[
            pltpu.VMEM((32, _V), jnp.float32),
            pltpu.SemaphoreType.DMA,
        ],
    )
    return fn(table)


_NBUF = 5


def _gather_body(idx_hbm, table_hbm, out_hbm, idx_v, rows, gsems, osems):
    wid = lax.axis_index("s") * _NC + lax.axis_index("c")
    base = wid * _RW
    pltpu.sync_copy(idx_hbm.at[wid], idx_v)

    def fire_gather(c, k):
        iv = idx_v[pl.ds(c * _GCH, _GCH)]
        pltpu.async_copy(table_hbm.at[iv], rows.at[k], gsems.at[k])

    def wait_gather(k):
        pltpu.make_async_copy(table_hbm.at[idx_v[pl.ds(0, _GCH)]],
                              rows.at[k], gsems.at[k]).wait()

    def fire_out(c, k):
        pltpu.async_copy(rows.at[k], out_hbm.at[pl.ds(base + c * _GCH, _GCH)],
                         osems.at[k])

    def wait_out(k):
        pltpu.make_async_copy(rows.at[k], out_hbm.at[pl.ds(base, _GCH)],
                              osems.at[k]).wait()

    for k in range(_NBUF):
        fire_gather(k, k)

    def step(i, carry):
        c0 = _NBUF * i
        for k in range(_NBUF):
            wait_gather(k)
            fire_out(c0 + k, k)

        @pl.when(i < _GNCH // _NBUF - 1)
        def _():
            for k in range(_NBUF):
                wait_out(k)
                fire_gather(c0 + _NBUF + k, k)

        return carry

    lax.fori_loop(0, _GNCH // _NBUF, step, 0)
    for k in range(_NBUF):
        wait_out(k)


@jax.jit
def _gather_call(idx2, table_pad):
    mesh = plsc.VectorSubcoreMesh(core_axis_name="c", subcore_axis_name="s")
    fn = pl.kernel(
        _gather_body,
        out_type=jax.ShapeDtypeStruct((_N, _VP), jnp.float32),
        mesh=mesh,
        scratch_types=[
            pltpu.VMEM((_RW,), jnp.int32),
            pltpu.VMEM((_NBUF, _GCH, _VP), jnp.float32),
            pltpu.SemaphoreType.DMA((_NBUF,)),
            pltpu.SemaphoreType.DMA((_NBUF,)),
        ],
    )
    return fn(idx2, table_pad)


def _loss_body(idx_hbm, tgt_hbm, tflat_hbm, lse_hbm, part_hbm,
               idx_v, tgt_c, comb_c, lse_c, tgtv_c, part_v, lsem, tsem):
    wid = lax.axis_index("s") * _NC + lax.axis_index("c")
    pltpu.sync_copy(idx_hbm.at[wid], idx_v)
    part_v[...] = jnp.zeros((_LANES,), jnp.float32)

    def chunk(c, carry):
        pltpu.sync_copy(tgt_hbm.at[wid, c], tgt_c)
        for j in range(_CH // _LANES):
            sl = pl.ds(j * _LANES, _LANES)
            comb_c[sl] = idx_v[c, sl] * _V + tgt_c[sl]
        pltpu.async_copy(lse_hbm.at[idx_v.at[c]], lse_c, lsem)
        pltpu.async_copy(tflat_hbm.at[comb_c], tgtv_c, tsem)
        pltpu.make_async_copy(lse_hbm.at[idx_v.at[c]], lse_c, lsem).wait()
        pltpu.make_async_copy(tflat_hbm.at[comb_c], tgtv_c, tsem).wait()
        acc = part_v[...]
        for j in range(_CH // _LANES):
            sl = pl.ds(j * _LANES, _LANES)
            acc = acc + (lse_c[sl] - tgtv_c[sl])
        part_v[...] = acc
        return carry

    lax.fori_loop(0, _NCH, chunk, 0)
    pltpu.sync_copy(part_v, part_hbm.at[wid])


@jax.jit
def _loss_call(idx3, tgt3, tflat, lse_row):
    mesh = plsc.VectorSubcoreMesh(core_axis_name="c", subcore_axis_name="s")
    fn = pl.kernel(
        _loss_body,
        out_type=jax.ShapeDtypeStruct((_NW, _LANES), jnp.float32),
        mesh=mesh,
        compiler_params=pltpu.CompilerParams(use_tc_tiling_on_sc=False),
        scratch_types=[
            pltpu.VMEM((_NCH, _CH), jnp.int32),
            pltpu.VMEM((_CH,), jnp.int32),
            pltpu.VMEM((_CH,), jnp.int32),
            pltpu.VMEM((_CH,), jnp.float32),
            pltpu.VMEM((_CH,), jnp.float32),
            pltpu.VMEM((_LANES,), jnp.float32),
            pltpu.SemaphoreType.DMA,
            pltpu.SemaphoreType.DMA,
        ],
    )
    return fn(idx3, tgt3, tflat, lse_row)


def kernel(input_b_l, target_b_1, embedding_table):
    idx2 = input_b_l.astype(jnp.int32).reshape(_NW, _RW)
    idx3 = input_b_l.astype(jnp.int32).reshape(_NW, _NCH, _CH)
    tgt3 = target_b_1.astype(jnp.int32).reshape(_NW, _NCH, _CH)
    tflat = _flatten_table(embedding_table)
    lse_row = _row_lse(embedding_table)
    table_pad = jnp.pad(embedding_table, ((0, 0), (0, _VP - _V)))
    logits_pad = _gather_call(idx2, table_pad)
    parts = _loss_call(idx3, tgt3, tflat, lse_row)
    loss = jnp.sum(parts) / _N
    return logits_pad[:, :_V], loss

# --- scband reference (transcript-rebuilt; emitter-appended) ---
"""Pipeline reference for scband-bigram-model-27779848471519 (READ-ONLY COPY).

The authoritative reference and input builder live on the scoring server;
editing this copy changes nothing except your own understanding.
"""

import jax, jax.numpy as jnp
import numpy as np

B, L, V = 1024, 50, 1000

def setup_inputs(seed: int = 0) -> dict:
    key = jax.random.key(seed)
    k1, k2, k3 = jax.random.split(key, 3)
    input_b_l = jax.random.randint(k1, (B, L), 0, V, dtype=jnp.int64) if jax.config.jax_enable_x64 else jax.random.randint(k1, (B, L), 0, V, dtype=jnp.int32)
    target_b_1 = jax.random.randint(k2, (B, L), 0, V, dtype=jnp.int32)
    embedding_table = jax.random.normal(k3, (V, V), dtype=jnp.float32)
    return {"input_b_l": input_b_l, "target_b_1": target_b_1, "embedding_table": embedding_table}

def reference(input_b_l, target_b_1, embedding_table):
    # nn.Embedding lookup: [B, L] -> [B, L, C]
    out_b_l_c = jnp.take(embedding_table, input_b_l, axis=0)
    Bs, Ls, C = out_b_l_c.shape
    logits = out_b_l_c.reshape(Bs * Ls, C)
    tgt = target_b_1.reshape(Bs * Ls)
    # F.cross_entropy with mean reduction
    logz = jax.nn.logsumexp(logits, axis=-1)
    tgt_logit = jnp.take_along_axis(logits, tgt[:, None], axis=1)[:, 0]
    loss = jnp.mean(logz - tgt_logit)
    return (logits, loss)

if __name__ == "__main__":
    import jax
    _d = setup_inputs()
    print(jax.jit(kernel)(*tuple(_d.values())))

</pallas_src>

<mosaic_0001>
#map = affine_map<(d0, d1) -> (0, 0)>
module attributes {stable_mosaic.version = 14 : i64} {
  func.func @_gather_body(%arg0: i32, %arg1: i32, %arg2: memref<32x1600xi32, #tpu.memory_space<hbm>>, %arg3: memref<1000x1024xf32, #tpu.memory_space<hbm>>, %arg4: memref<51200x1024xf32, #tpu.memory_space<hbm>>, %arg5: memref<1600xi32, #tpu.memory_space<vmem>>, %arg6: memref<5x16x1024xf32, #tpu.memory_space<vmem>>, %arg7: memref<5x!tpu.dma_semaphore, #tpu.memory_space<semaphore_mem>>, %arg8: memref<5x!tpu.dma_semaphore, #tpu.memory_space<semaphore_mem>>) attributes {dimension_semantics = [#tpu.dimension_semantics<core_parallel>, #tpu.dimension_semantics<subcore_parallel>], iteration_bounds = array<i64: 2, 16>, scalar_prefetch = 0 : i64, scratch_operands = 4 : i64, tpu.core_type = #tpu.core_type<sc_vector_subcore>, window_params = [{transform_indices = #map}, {transform_indices = #map}, {transform_indices = #map}]} {
    %mul3A = arith.constant 2 : i32
    %mul3A_0 = arith.muli %arg1, %mul3A : i32
    %add3A = arith.addi %mul3A_0, %arg0 : i32
    %mul3A_1 = arith.constant 1600 : i32
    %mul3A_2 = arith.muli %add3A, %mul3A_1 : i32
    "tpu.region"() ({
      %run_scoped3A = tpu.sem_alloc : memref<!tpu.dma_semaphore, #tpu.memory_space<semaphore_mem>>
      %dma_start3A_155 = arith.constant 0 : i32
      %dma_start3A_156 = tpu.memref_slice %arg2[%add3A, %dma_start3A_155] : memref<32x1600xi32, #tpu.memory_space<hbm>> -> memref<1x1600xi32, #tpu.memory_space<hbm>>
      %dma_start3A_157 = tpu.memref_squeeze %dma_start3A_156 : memref<1x1600xi32, #tpu.memory_space<hbm>> -> memref<1600xi32, #tpu.memory_space<hbm>>
      %dma_start3A_158 = arith.constant 0 : i32
      %dma_start3A_159 = tpu.memref_slice %arg2[%add3A, %dma_start3A_158] : memref<32x1600xi32, #tpu.memory_space<hbm>> -> memref<1x1600xi32, #tpu.memory_space<hbm>>
      %dma_start3A_160 = tpu.memref_squeeze %dma_start3A_159 : memref<1x1600xi32, #tpu.memory_space<hbm>> -> memref<1600xi32, #tpu.memory_space<hbm>>
      tpu.enqueue_dma source(%dma_start3A_160 : memref<1600xi32, #tpu.memory_space<hbm>>) target(%arg5 : memref<1600xi32, #tpu.memory_space<vmem>>) target_semaphore(%run_scoped3A : memref<!tpu.dma_semaphore, #tpu.memory_space<semaphore_mem>>)
      %dma_wait3A_161 = arith.constant 0 : i32
      %dma_wait3A_162 = tpu.memref_slice %arg2[%add3A, %dma_wait3A_161] : memref<32x1600xi32, #tpu.memory_space<hbm>> -> memref<1x1600xi32, #tpu.memory_space<hbm>>
      %dma_wait3A_163 = tpu.memref_squeeze %dma_wait3A_162 : memref<1x1600xi32, #tpu.memory_space<hbm>> -> memref<1600xi32, #tpu.memory_space<hbm>>
      %dma_wait3A_164 = arith.constant 0 : i32
      %dma_wait3A_165 = tpu.memref_slice %arg2[%add3A, %dma_wait3A_164] : memref<32x1600xi32, #tpu.memory_space<hbm>> -> memref<1x1600xi32, #tpu.memory_space<hbm>>
      %dma_wait3A_166 = tpu.memref_squeeze %dma_wait3A_165 : memref<1x1600xi32, #tpu.memory_space<hbm>> -> memref<1600xi32, #tpu.memory_space<hbm>>
      tpu.wait_dma2 semaphore(%run_scoped3A : memref<!tpu.dma_semaphore, #tpu.memory_space<semaphore_mem>>) src(%dma_wait3A_166 : memref<1600xi32, #tpu.memory_space<hbm>>) dst(%arg5 : memref<1600xi32, #tpu.memory_space<vmem>>)
      tpu.yield
    }) : () -> ()
    %get3A = arith.constant 0 : index
    %get3A_3 = tpu.vector_load %arg5[%get3A] {strides = array<i32>} : memref<1600xi32, #tpu.memory_space<vmem>>, vector<16xi32>,
    %get3A_4 = vector.shape_cast %get3A_3 : vector<16xi32> to vector<16xi32>
    %dma_start3A = arith.constant 0 : i32
    %dma_start3A_5 = arith.constant 0 : i32
    %dma_start3A_6 = arith.constant 0 : i32
    %dma_start3A_7 = arith.constant 0 : i32
    %dma_start3A_8 = tpu.memref_slice %arg6[%dma_start3A, %dma_start3A_6, %dma_start3A_7] : memref<5x16x1024xf32, #tpu.memory_space<vmem>> -> memref<1x16x1024xf32, #tpu.memory_space<vmem>>
    %dma_start3A_9 = tpu.memref_squeeze %dma_start3A_8 : memref<1x16x1024xf32, #tpu.memory_space<vmem>> -> memref<16x1024xf32, #tpu.memory_space<vmem>>
    %dma_start3A_10 = arith.constant 0 : i32
    %dma_start3A_11 = arith.constant 0 : i32
    %dma_start3A_12 = tpu.memref_slice %arg3[%dma_start3A_10, %dma_start3A_11] : memref<1000x1024xf32, #tpu.memory_space<hbm>> -> memref<1000x1024xf32, #tpu.memory_space<hbm>>
    %dma_start3A_13 = tpu.memref_slice %arg7[%dma_start3A_5] : memref<5x!tpu.dma_semaphore, #tpu.memory_space<semaphore_mem>> -> memref<1x!tpu.dma_semaphore, #tpu.memory_space<semaphore_mem>>
    %dma_start3A_14 = tpu.memref_squeeze %dma_start3A_13 : memref<1x!tpu.dma_semaphore, #tpu.memory_space<semaphore_mem>> -> memref<!tpu.dma_semaphore, #tpu.memory_space<semaphore_mem>>
    tpu.enqueue_indirect_dma source(%dma_start3A_12 : memref<1000x1024xf32, #tpu.memory_space<hbm>>) target(%dma_start3A_9 : memref<16x1024xf32, #tpu.memory_space<vmem>>) offsets(%get3A_4 : vector<16xi32>) semaphore(%dma_start3A_14 : memref<!tpu.dma_semaphore, #tpu.memory_space<semaphore_mem>>)
    %get3A_15 = arith.constant 16 : index
    %get3A_16 = tpu.vector_load %arg5[%get3A_15] {strides = array<i32>} : memref<1600xi32, #tpu.memory_space<vmem>>, vector<16xi32>,
    %get3A_17 = vector.shape_cast %get3A_16 : vector<16xi32> to vector<16xi32>
    %dma_start3A_18 = arith.constant 1 : i32
    %dma_start3A_19 = arith.constant 1 : i32
    %dma_start3A_20 = arith.constant 0 : i32
    %dma_start3A_21 = arith.constant 0 : i32
    %dma_start3A_22 = tpu.memref_slice %arg6[%dma_start3A_18, %dma_start3A_20, %dma_start3A_21] : memref<5x16x1024xf32, #tpu.memory_space<vmem>> -> memref<1x16x1024xf32, #tpu.memory_space<vmem>>
    %dma_start3A_23 = tpu.memref_squeeze %dma_start3A_22 : memref<1x16x1024xf32, #tpu.memory_space<vmem>> -> memref<16x1024xf32, #tpu.memory_space<vmem>>
    %dma_start3A_24 = arith.constant 0 : i32
    %dma_start3A_25 = arith.constant 0 : i32
    %dma_start3A_26 = tpu.memref_slice %arg3[%dma_start3A_24, %dma_start3A_25] : memref<1000x1024xf32, #tpu.memory_space<hbm>> -> memref<1000x1024xf32, #tpu.memory_space<hbm>>
    %dma_start3A_27 = tpu.memref_slice %arg7[%dma_start3A_19] : memref<5x!tpu.dma_semaphore, #tpu.memory_space<semaphore_mem>> -> memref<1x!tpu.dma_semaphore, #tpu.memory_space<semaphore_mem>>
    %dma_start3A_28 = tpu.memref_squeeze %dma_start3A_27 : memref<1x!tpu.dma_semaphore, #tpu.memory_space<semaphore_mem>> -> memref<!tpu.dma_semaphore, #tpu.memory_space<semaphore_mem>>
    tpu.enqueue_indirect_dma source(%dma_start3A_26 : memref<1000x1024xf32, #tpu.memory_space<hbm>>) target(%dma_start3A_23 : memref<16x1024xf32, #tpu.memory_space<vmem>>) offsets(%get3A_17 : vector<16xi32>) semaphore(%dma_start3A_28 : memref<!tpu.dma_semaphore, #tpu.memory_space<semaphore_mem>>)
    %get3A_29 = arith.constant 32 : index
    %get3A_30 = tpu.vector_load %arg5[%get3A_29] {strides = array<i32>} : memref<1600xi32, #tpu.memory_space<vmem>>, vector<16xi32>,
    %get3A_31 = vector.shape_cast %get3A_30 : vector<16xi32> to vector<16xi32>
    %dma_start3A_32 = arith.constant 2 : i32
    %dma_start3A_33 = arith.constant 2 : i32
    %dma_start3A_34 = arith.constant 0 : i32
    %dma_start3A_35 = arith.constant 0 : i32
    %dma_start3A_36 = tpu.memref_slice %arg6[%dma_start3A_32, %dma_start3A_34, %dma_start3A_35] : memref<5x16x1024xf32, #tpu.memory_space<vmem>> -> memref<1x16x1024xf32, #tpu.memory_space<vmem>>
    %dma_start3A_37 = tpu.memref_squeeze %dma_start3A_36 : memref<1x16x1024xf32, #tpu.memory_space<vmem>> -> memref<16x1024xf32, #tpu.memory_space<vmem>>
    %dma_start3A_38 = arith.constant 0 : i32
    %dma_start3A_39 = arith.constant 0 : i32
    %dma_start3A_40 = tpu.memref_slice %arg3[%dma_start3A_38, %dma_start3A_39] : memref<1000x1024xf32, #tpu.memory_space<hbm>> -> memref<1000x1024xf32, #tpu.memory_space<hbm>>
    %dma_start3A_41 = tpu.memref_slice %arg7[%dma_start3A_33] : memref<5x!tpu.dma_semaphore, #tpu.memory_space<semaphore_mem>> -> memref<1x!tpu.dma_semaphore, #tpu.memory_space<semaphore_mem>>
    %dma_start3A_42 = tpu.memref_squeeze %dma_start3A_41 : memref<1x!tpu.dma_semaphore, #tpu.memory_space<semaphore_mem>> -> memref<!tpu.dma_semaphore, #tpu.memory_space<semaphore_mem>>
    tpu.enqueue_indirect_dma source(%dma_start3A_40 : memref<1000x1024xf32, #tpu.memory_space<hbm>>) target(%dma_start3A_37 : memref<16x1024xf32, #tpu.memory_space<vmem>>) offsets(%get3A_31 : vector<16xi32>) semaphore(%dma_start3A_42 : memref<!tpu.dma_semaphore, #tpu.memory_space<semaphore_mem>>)
    %get3A_43 = arith.constant 48 : index
    %get3A_44 = tpu.vector_load %arg5[%get3A_43] {strides = array<i32>} : memref<1600xi32, #tpu.memory_space<vmem>>, vector<16xi32>,
    %get3A_45 = vector.shape_cast %get3A_44 : vector<16xi32> to vector<16xi32>
    %dma_start3A_46 = arith.constant 3 : i32
    %dma_start3A_47 = arith.constant 3 : i32
    %dma_start3A_48 = arith.constant 0 : i32
    %dma_start3A_49 = arith.constant 0 : i32
    %dma_start3A_50 = tpu.memref_slice %arg6[%dma_start3A_46, %dma_start3A_48, %dma_start3A_49] : memref<5x16x1024xf32, #tpu.memory_space<vmem>> -> memref<1x16x1024xf32, #tpu.memory_space<vmem>>
    %dma_start3A_51 = tpu.memref_squeeze %dma_start3A_50 : memref<1x16x1024xf32, #tpu.memory_space<vmem>> -> memref<16x1024xf32, #tpu.memory_space<vmem>>
    %dma_start3A_52 = arith.constant 0 : i32
    %dma_start3A_53 = arith.constant 0 : i32
    %dma_start3A_54 = tpu.memref_slice %arg3[%dma_start3A_52, %dma_start3A_53] : memref<1000x1024xf32, #tpu.memory_space<hbm>> -> memref<1000x1024xf32, #tpu.memory_space<hbm>>
    %dma_start3A_55 = tpu.memref_slice %arg7[%dma_start3A_47] : memref<5x!tpu.dma_semaphore, #tpu.memory_space<semaphore_mem>> -> memref<1x!tpu.dma_semaphore, #tpu.memory_space<semaphore_mem>>
    %dma_start3A_56 = tpu.memref_squeeze %dma_start3A_55 : memref<1x!tpu.dma_semaphore, #tpu.memory_space<semaphore_mem>> -> memref<!tpu.dma_semaphore, #tpu.memory_space<semaphore_mem>>
    tpu.enqueue_indirect_dma source(%dma_start3A_54 : memref<1000x1024xf32, #tpu.memory_space<hbm>>) target(%dma_start3A_51 : memref<16x1024xf32, #tpu.memory_space<vmem>>) offsets(%get3A_45 : vector<16xi32>) semaphore(%dma_start3A_56 : memref<!tpu.dma_semaphore, #tpu.memory_space<semaphore_mem>>)
    %get3A_57 = arith.constant 64 : index
    %get3A_58 = tpu.vector_load %arg5[%get3A_57] {strides = array<i32>} : memref<1600xi32, #tpu.memory_space<vmem>>, vector<16xi32>,
    %get3A_59 = vector.shape_cast %get3A_58 : vector<16xi32> to vector<16xi32>
    %dma_start3A_60 = arith.constant 4 : i32
    %dma_start3A_61 = arith.constant 4 : i32
    %dma_start3A_62 = arith.constant 0 : i32
    %dma_start3A_63 = arith.constant 0 : i32
    %dma_start3A_64 = tpu.memref_slice %arg6[%dma_start3A_60, %dma_start3A_62, %dma_start3A_63] : memref<5x16x1024xf32, #tpu.memory_space<vmem>> -> memref<1x16x1024xf32, #tpu.memory_space<vmem>>
    %dma_start3A_65 = tpu.memref_squeeze %dma_start3A_64 : memref<1x16x1024xf32, #tpu.memory_space<vmem>> -> memref<16x1024xf32, #tpu.memory_space<vmem>>
    %dma_start3A_66 = arith.constant 0 : i32
    %dma_start3A_67 = arith.constant 0 : i32
    %dma_start3A_68 = tpu.memref_slice %arg3[%dma_start3A_66, %dma_start3A_67] : memref<1000x1024xf32, #tpu.memory_space<hbm>> -> memref<1000x1024xf32, #tpu.memory_space<hbm>>
    %dma_start3A_69 = tpu.memref_slice %arg7[%dma_start3A_61] : memref<5x!tpu.dma_semaphore, #tpu.memory_space<semaphore_mem>> -> memref<1x!tpu.dma_semaphore, #tpu.memory_space<semaphore_mem>>
    %dma_start3A_70 = tpu.memref_squeeze %dma_start3A_69 : memref<1x!tpu.dma_semaphore, #tpu.memory_space<semaphore_mem>> -> memref<!tpu.dma_semaphore, #tpu.memory_space<semaphore_mem>>
    tpu.enqueue_indirect_dma source(%dma_start3A_68 : memref<1000x1024xf32, #tpu.memory_space<hbm>>) target(%dma_start3A_65 : memref<16x1024xf32, #tpu.memory_space<vmem>>) offsets(%get3A_59 : vector<16xi32>) semaphore(%dma_start3A_70 : memref<!tpu.dma_semaphore, #tpu.memory_space<semaphore_mem>>)
    %scan3A = arith.constant 0 : i32
    %scan3A_71 = arith.constant 0 : i32
    %scan3A_72 = arith.constant 20 : i32
    %scan3A_73 = arith.addi %scan3A_71, %scan3A_72 : i32
    %scan3A_74 = arith.constant 1 : i32
    scf.for %scan3A_155 = %scan3A_71 to %scan3A_73 step %scan3A_74  : i32 {
      %mul3A_156 = arith.constant 5 : i32
      %mul3A_157 = arith.muli %mul3A_156, %scan3A_155 : i32
      %get3A_158 = arith.constant 0 : index
      %get3A_159 = tpu.vector_load %arg5[%get3A_158] {strides = array<i32>} : memref<1600xi32, #tpu.memory_space<vmem>>, vector<16xi32>,
      %get3A_160 = vector.shape_cast %get3A_159 : vector<16xi32> to vector<16xi32>
      %dma_wait3A_161 = arith.constant 0 : i32
      %dma_wait3A_162 = arith.constant 0 : i32
      %dma_wait3A_163 = arith.constant 0 : i32
      %dma_wait3A_164 = arith.constant 0 : i32
      %dma_wait3A_165 = tpu.memref_slice %arg6[%dma_wait3A_161, %dma_wait3A_163, %dma_wait3A_164] : memref<5x16x1024xf32, #tpu.memory_space<vmem>> -> memref<1x16x1024xf32, #tpu.memory_space<vmem>>
      %dma_wait3A_166 = tpu.memref_squeeze %dma_wait3A_165 : memref<1x16x1024xf32, #tpu.memory_space<vmem>> -> memref<16x1024xf32, #tpu.memory_space<vmem>>
      %dma_wait3A_167 = arith.constant 0 : i32
      %dma_wait3A_168 = arith.constant 0 : i32
      %dma_wait3A_169 = tpu.memref_slice %arg3[%dma_wait3A_167, %dma_wait3A_168] : memref<1000x1024xf32, #tpu.memory_space<hbm>> -> memref<1000x1024xf32, #tpu.memory_space<hbm>>
      %dma_wait3A_170 = tpu.memref_slice %arg7[%dma_wait3A_162] : memref<5x!tpu.dma_semaphore, #tpu.memory_space<semaphore_mem>> -> memref<1x!tpu.dma_semaphore, #tpu.memory_space<semaphore_mem>>
      %dma_wait3A_171 = tpu.memref_squeeze %dma_wait3A_170 : memref<1x!tpu.dma_semaphore, #tpu.memory_space<semaphore_mem>> -> memref<!tpu.dma_semaphore, #tpu.memory_space<semaphore_mem>>
      tpu.wait_indirect_dma semaphore(%dma_wait3A_171 : memref<!tpu.dma_semaphore, #tpu.memory_space<semaphore_mem>>) src(%dma_wait3A_169 : memref<1000x1024xf32, #tpu.memory_space<hbm>>) dst(%dma_wait3A_166 : memref<16x1024xf32, #tpu.memory_space<vmem>>)
      %add3A_172 = arith.constant 0 : i32
      %add3A_173 = arith.addi %mul3A_157, %add3A_172 : i32
      %mul3A_174 = arith.constant 16 : i32
      %mul3A_175 = arith.muli %add3A_173, %mul3A_174 : i32
      %add3A_176 = arith.addi %mul3A_2, %mul3A_175 : i32
      %dma_start3A_177 = arith.constant 0 : i32
      %dma_start3A_178 = arith.constant 0 : i32
      %dma_start3A_179 = arith.constant 0 : i32
      %dma_start3A_180 = arith.constant 0 : i32
      %dma_start3A_181 = tpu.memref_slice %arg6[%dma_start3A_177, %dma_start3A_179, %dma_start3A_180] : memref<5x16x1024xf32, #tpu.memory_space<vmem>> -> memref<1x16x1024xf32, #tpu.memory_space<vmem>>
      %dma_start3A_182 = tpu.memref_squeeze %dma_start3A_181 : memref<1x16x1024xf32, #tpu.memory_space<vmem>> -> memref<16x1024xf32, #tpu.memory_space<vmem>>
      %dma_start3A_183 = arith.constant 0 : i32
      %dma_start3A_184 = tpu.memref_slice %arg4[%add3A_176, %dma_start3A_183] : memref<51200x1024xf32, #tpu.memory_space<hbm>> -> memref<16x1024xf32, #tpu.memory_space<hbm>>
      %dma_start3A_185 = tpu.memref_slice %arg8[%dma_start3A_178] : memref<5x!tpu.dma_semaphore, #tpu.memory_space<semaphore_mem>> -> memref<1x!tpu.dma_semaphore, #tpu.memory_space<semaphore_mem>>
      %dma_start3A_186 = tpu.memref_squeeze %dma_start3A_185 : memref<1x!tpu.dma_semaphore, #tpu.memory_space<semaphore_mem>> -> memref<!tpu.dma_semaphore, #tpu.memory_space<semaphore_mem>>
      %dma_start3A_187 = arith.constant 0 : i32
      %dma_start3A_188 = tpu.memref_slice %arg4[%add3A_176, %dma_start3A_187] : memref<51200x1024xf32, #tpu.memory_space<hbm>> -> memref<16x1024xf32, #tpu.memory_space<hbm>>
      %dma_start3A_189 = arith.constant 0 : i32
      %dma_start3A_190 = arith.constant 0 : i32
      %dma_start3A_191 = tpu.memref_slice %arg6[%dma_start3A_177, %dma_start3A_189, %dma_start3A_190] : memref<5x16x1024xf32, #tpu.memory_space<vmem>> -> memref<1x16x1024xf32, #tpu.memory_space<vmem>>
      %dma_start3A_192 = tpu.memref_squeeze %dma_start3A_191 : memref<1x16x1024xf32, #tpu.memory_space<vmem>> -> memref<16x1024xf32, #tpu.memory_space<vmem>>
      tpu.enqueue_dma source(%dma_start3A_192 : memref<16x1024xf32, #tpu.memory_space<vmem>>) target(%dma_start3A_188 : memref<16x1024xf32, #tpu.memory_space<hbm>>) target_semaphore(%dma_start3A_186 : memref<!tpu.dma_semaphore, #tpu.memory_space<semaphore_mem>>)
      %get3A_193 = arith.constant 0 : index
      %get3A_194 = tpu.vector_load %arg5[%get3A_193] {strides = array<i32>} : memref<1600xi32, #tpu.memory_space<vmem>>, vector<16xi32>,
      %get3A_195 = vector.shape_cast %get3A_194 : vector<16xi32> to vector<16xi32>
      %dma_wait3A_196 = arith.constant 1 : i32
      %dma_wait3A_197 = arith.constant 1 : i32
      %dma_wait3A_198 = arith.constant 0 : i32
      %dma_wait3A_199 = arith.constant 0 : i32
      %dma_wait3A_200 = tpu.memref_slice %arg6[%dma_wait3A_196, %dma_wait3A_198, %dma_wait3A_199] : memref<5x16x1024xf32, #tpu.memory_space<vmem>> -> memref<1x16x1024xf32, #tpu.memory_space<vmem>>
      %dma_wait3A_201 = tpu.memref_squeeze %dma_wait3A_200 : memref<1x16x1024xf32, #tpu.memory_space<vmem>> -> memref<16x1024xf32, #tpu.memory_space<vmem>>
      %dma_wait3A_202 = arith.constant 0 : i32
      %dma_wait3A_203 = arith.constant 0 : i32
      %dma_wait3A_204 = tpu.memref_slice %arg3[%dma_wait3A_202, %dma_wait3A_203] : memref<1000x1024xf32, #tpu.memory_space<hbm>> -> memref<1000x1024xf32, #tpu.memory_space<hbm>>
      %dma_wait3A_205 = tpu.memref_slice %arg7[%dma_wait3A_197] : memref<5x!tpu.dma_semaphore, #tpu.memory_space<semaphore_mem>> -> memref<1x!tpu.dma_semaphore, #tpu.memory_space<semaphore_mem>>
      %dma_wait3A_206 = tpu.memref_squeeze %dma_wait3A_205 : memref<1x!tpu.dma_semaphore, #tpu.memory_space<semaphore_mem>> -> memref<!tpu.dma_semaphore, #tpu.memory_space<semaphore_mem>>
      tpu.wait_indirect_dma semaphore(%dma_wait3A_206 : memref<!tpu.dma_semaphore, #tpu.memory_space<semaphore_mem>>) src(%dma_wait3A_204 : memref<1000x1024xf32, #tpu.memory_space<hbm>>) dst(%dma_wait3A_201 : memref<16x1024xf32, #tpu.memory_space<vmem>>)
      %add3A_207 = arith.constant 1 : i32
      %add3A_208 = arith.addi %mul3A_157, %add3A_207 : i32
      %mul3A_209 = arith.constant 16 : i32
      %mul3A_210 = arith.muli %add3A_208, %mul3A_209 : i32
      %add3A_211 = arith.addi %mul3A_2, %mul3A_210 : i32
      %dma_start3A_212 = arith.constant 1 : i32
      %dma_start3A_213 = arith.constant 1 : i32
      %dma_start3A_214 = arith.constant 0 : i32
      %dma_start3A_215 = arith.constant 0 : i32
      %dma_start3A_216 = tpu.memref_slice %arg6[%dma_start3A_212, %dma_start3A_214, %dma_start3A_215] : memref<5x16x1024xf32, #tpu.memory_space<vmem>> -> memref<1x16x1024xf32, #tpu.memory_space<vmem>>
      %dma_start3A_217 = tpu.memref_squeeze %dma_start3A_216 : memref<1x16x1024xf32, #tpu.memory_space<vmem>> -> memref<16x1024xf32, #tpu.memory_space<vmem>>
      %dma_start3A_218 = arith.constant 0 : i32
      %dma_start3A_219 = tpu.memref_slice %arg4[%add3A_211, %dma_start3A_218] : memref<51200x1024xf32, #tpu.memory_space<hbm>> -> memref<16x1024xf32, #tpu.memory_space<hbm>>
      %dma_start3A_220 = tpu.memref_slice %arg8[%dma_start3A_213] : memref<5x!tpu.dma_semaphore, #tpu.memory_space<semaphore_mem>> -> memref<1x!tpu.dma_semaphore, #tpu.memory_space<semaphore_mem>>
      %dma_start3A_221 = tpu.memref_squeeze %dma_start3A_220 : memref<1x!tpu.dma_semaphore, #tpu.memory_space<semaphore_mem>> -> memref<!tpu.dma_semaphore, #tpu.memory_space<semaphore_mem>>
      %dma_start3A_222 = arith.constant 0 : i32
      %dma_start3A_223 = tpu.memref_slice %arg4[%add3A_211, %dma_start3A_222] : memref<51200x1024xf32, #tpu.memory_space<hbm>> -> memref<16x1024xf32, #tpu.memory_space<hbm>>
      %dma_start3A_224 = arith.constant 0 : i32
      %dma_start3A_225 = arith.constant 0 : i32
      %dma_start3A_226 = tpu.memref_slice %arg6[%dma_start3A_212, %dma_start3A_224, %dma_start3A_225] : memref<5x16x1024xf32, #tpu.memory_space<vmem>> -> memref<1x16x1024xf32, #tpu.memory_space<vmem>>
      %dma_start3A_227 = tpu.memref_squeeze %dma_start3A_226 : memref<1x16x1024xf32, #tpu.memory_space<vmem>> -> memref<16x1024xf32, #tpu.memory_space<vmem>>
      tpu.enqueue_dma source(%dma_start3A_227 : memref<16x1024xf32, #tpu.memory_space<vmem>>) target(%dma_start3A_223 : memref<16x1024xf32, #tpu.memory_space<hbm>>) target_semaphore(%dma_start3A_221 : memref<!tpu.dma_semaphore, #tpu.memory_space<semaphore_mem>>)
      %get3A_228 = arith.constant 0 : index
      %get3A_229 = tpu.vector_load %arg5[%get3A_228] {strides = array<i32>} : memref<1600xi32, #tpu.memory_space<vmem>>, vector<16xi32>,
      %get3A_230 = vector.shape_cast %get3A_229 : vector<16xi32> to vector<16xi32>
      %dma_wait3A_231 = arith.constant 2 : i32
      %dma_wait3A_232 = arith.constant 2 : i32
      %dma_wait3A_233 = arith.constant 0 : i32
      %dma_wait3A_234 = arith.constant 0 : i32
      %dma_wait3A_235 = tpu.memref_slice %arg6[%dma_wait3A_231, %dma_wait3A_233, %dma_wait3A_234] : memref<5x16x1024xf32, #tpu.memory_space<vmem>> -> memref<1x16x1024xf32, #tpu.memory_space<vmem>>
      %dma_wait3A_236 = tpu.memref_squeeze %dma_wait3A_235 : memref<1x16x1024xf32, #tpu.memory_space<vmem>> -> memref<16x1024xf32, #tpu.memory_space<vmem>>
      %dma_wait3A_237 = arith.constant 0 : i32
      %dma_wait3A_238 = arith.constant 0 : i32
      %dma_wait3A_239 = tpu.memref_slice %arg3[%dma_wait3A_237, %dma_wait3A_238] : memref<1000x1024xf32, #tpu.memory_space<hbm>> -> memref<1000x1024xf32, #tpu.memory_space<hbm>>
      %dma_wait3A_240 = tpu.memref_slice %arg7[%dma_wait3A_232] : memref<5x!tpu.dma_semaphore, #tpu.memory_space<semaphore_mem>> -> memref<1x!tpu.dma_semaphore, #tpu.memory_space<semaphore_mem>>
      %dma_wait3A_241 = tpu.memref_squeeze %dma_wait3A_240 : memref<1x!tpu.dma_semaphore, #tpu.memory_space<semaphore_mem>> -> memref<!tpu.dma_semaphore, #tpu.memory_space<semaphore_mem>>
      tpu.wait_indirect_dma semaphore(%dma_wait3A_241 : memref<!tpu.dma_semaphore, #tpu.memory_space<semaphore_mem>>) src(%dma_wait3A_239 : memref<1000x1024xf32, #tpu.memory_space<hbm>>) dst(%dma_wait3A_236 : memref<16x1024xf32, #tpu.memory_space<vmem>>)
      %add3A_242 = arith.constant 2 : i32
      %add3A_243 = arith.addi %mul3A_157, %add3A_242 : i32
      %mul3A_244 = arith.constant 16 : i32
      %mul3A_245 = arith.muli %add3A_243, %mul3A_244 : i32
      %add3A_246 = arith.addi %mul3A_2, %mul3A_245 : i32
      %dma_start3A_247 = arith.constant 2 : i32
      %dma_start3A_248 = arith.constant 2 : i32
      %dma_start3A_249 = arith.constant 0 : i32
      %dma_start3A_250 = arith.constant 0 : i32
      %dma_start3A_251 = tpu.memref_slice %arg6[%dma_start3A_247, %dma_start3A_249, %dma_start3A_250] : memref<5x16x1024xf32, #tpu.memory_space<vmem>> -> memref<1x16x1024xf32, #tpu.memory_space<vmem>>
      %dma_start3A_252 = tpu.memref_squeeze %dma_start3A_251 : memref<1x16x1024xf32, #tpu.memory_space<vmem>> -> memref<16x1024xf32, #tpu.memory_space<vmem>>
      %dma_start3A_253 = arith.constant 0 : i32
      %dma_start3A_254 = tpu.memref_slice %arg4[%add3A_246, %dma_start3A_253] : memref<51200x1024xf32, #tpu.memory_space<hbm>> -> memref<16x1024xf32, #tpu.memory_space<hbm>>
      %dma_start3A_255 = tpu.memref_slice %arg8[%dma_start3A_248] : memref<5x!tpu.dma_semaphore, #tpu.memory_space<semaphore_mem>> -> memref<1x!tpu.dma_semaphore, #tpu.memory_space<semaphore_mem>>
      %dma_start3A_256 = tpu.memref_squeeze %dma_start3A_255 : memref<1x!tpu.dma_semaphore, #tpu.memory_space<semaphore_mem>> -> memref<!tpu.dma_semaphore, #tpu.memory_space<semaphore_mem>>
      %dma_start3A_257 = arith.constant 0 : i32
      %dma_start3A_258 = tpu.memref_slice %arg4[%add3A_246, %dma_start3A_257] : memref<51200x1024xf32, #tpu.memory_space<hbm>> -> memref<16x1024xf32, #tpu.memory_space<hbm>>
      %dma_start3A_259 = arith.constant 0 : i32
      %dma_start3A_260 = arith.constant 0 : i32
      %dma_start3A_261 = tpu.memref_slice %arg6[%dma_start3A_247, %dma_start3A_259, %dma_start3A_260] : memref<5x16x1024xf32, #tpu.memory_space<vmem>> -> memref<1x16x1024xf32, #tpu.memory_space<vmem>>
      %dma_start3A_262 = tpu.memref_squeeze %dma_start3A_261 : memref<1x16x1024xf32, #tpu.memory_space<vmem>> -> memref<16x1024xf32, #tpu.memory_space<vmem>>
      tpu.enqueue_dma source(%dma_start3A_262 : memref<16x1024xf32, #tpu.memory_space<vmem>>) target(%dma_start3A_258 : memref<16x1024xf32, #tpu.memory_space<hbm>>) target_semaphore(%dma_start3A_256 : memref<!tpu.dma_semaphore, #tpu.memory_space<semaphore_mem>>)
      %get3A_263 = arith.constant 0 : index
      %get3A_264 = tpu.vector_load %arg5[%get3A_263] {strides = array<i32>} : memref<1600xi32, #tpu.memory_space<vmem>>, vector<16xi32>,
      %get3A_265 = vector.shape_cast %get3A_264 : vector<16xi32> to vector<16xi32>
      %dma_wait3A_266 = arith.constant 3 : i32
      %dma_wait3A_267 = arith.constant 3 : i32
      %dma_wait3A_268 = arith.constant 0 : i32
      %dma_wait3A_269 = arith.constant 0 : i32
      %dma_wait3A_270 = tpu.memref_slice %arg6[%dma_wait3A_266, %dma_wait3A_268, %dma_wait3A_269] : memref<5x16x1024xf32, #tpu.memory_space<vmem>> -> memref<1x16x1024xf32, #tpu.memory_space<vmem>>
      %dma_wait3A_271 = tpu.memref_squeeze %dma_wait3A_270 : memref<1x16x1024xf32, #tpu.memory_space<vmem>> -> memref<16x1024xf32, #tpu.memory_space<vmem>>
      %dma_wait3A_272 = arith.constant 0 : i32
      %dma_wait3A_273 = arith.constant 0 : i32
      %dma_wait3A_274 = tpu.memref_slice %arg3[%dma_wait3A_272, %dma_wait3A_273] : memref<1000x1024xf32, #tpu.memory_space<hbm>> -> memref<1000x1024xf32, #tpu.memory_space<hbm>>
      %dma_wait3A_275 = tpu.memref_slice %arg7[%dma_wait3A_267] : memref<5x!tpu.dma_semaphore, #tpu.memory_space<semaphore_mem>> -> memref<1x!tpu.dma_semaphore, #tpu.memory_space<semaphore_mem>>
      %dma_wait3A_276 = tpu.memref_squeeze %dma_wait3A_275 : memref<1x!tpu.dma_semaphore, #tpu.memory_space<semaphore_mem>> -> memref<!tpu.dma_semaphore, #tpu.memory_space<semaphore_mem>>
      tpu.wait_indirect_dma semaphore(%dma_wait3A_276 : memref<!tpu.dma_semaphore, #tpu.memory_space<semaphore_mem>>) src(%dma_wait3A_274 : memref<1000x1024xf32, #tpu.memory_space<hbm>>) dst(%dma_wait3A_271 : memref<16x1024xf32, #tpu.memory_space<vmem>>)
      %add3A_277 = arith.constant 3 : i32
      %add3A_278 = arith.addi %mul3A_157, %add3A_277 : i32
      %mul3A_279 = arith.constant 16 : i32
      %mul3A_280 = arith.muli %add3A_278, %mul3A_279 : i32
      %add3A_281 = arith.addi %mul3A_2, %mul3A_280 : i32
      %dma_start3A_282 = arith.constant 3 : i32
      %dma_start3A_283 = arith.constant 3 : i32
      %dma_start3A_284 = arith.constant 0 : i32
      %dma_start3A_285 = arith.constant 0 : i32
      %dma_start3A_286 = tpu.memref_slice %arg6[%dma_start3A_282, %dma_start3A_284, %dma_start3A_285] : memref<5x16x1024xf32, #tpu.memory_space<vmem>> -> memref<1x16x1024xf32, #tpu.memory_space<vmem>>
      %dma_start3A_287 = tpu.memref_squeeze %dma_start3A_286 : memref<1x16x1024xf32, #tpu.memory_space<vmem>> -> memref<16x1024xf32, #tpu.memory_space<vmem>>
      %dma_start3A_288 = arith.constant 0 : i32
      %dma_start3A_289 = tpu.memref_slice %arg4[%add3A_281, %dma_start3A_288] : memref<51200x1024xf32, #tpu.memory_space<hbm>> -> memref<16x1024xf32, #tpu.memory_space<hbm>>
      %dma_start3A_290 = tpu.memref_slice %arg8[%dma_start3A_283] : memref<5x!tpu.dma_semaphore, #tpu.memory_space<semaphore_mem>> -> memref<1x!tpu.dma_semaphore, #tpu.memory_space<semaphore_mem>>
      %dma_start3A_291 = tpu.memref_squeeze %dma_start3A_290 : memref<1x!tpu.dma_semaphore, #tpu.memory_space<semaphore_mem>> -> memref<!tpu.dma_semaphore, #tpu.memory_space<semaphore_mem>>
      %dma_start3A_292 = arith.constant 0 : i32
      %dma_start3A_293 = tpu.memref_slice %arg4[%add3A_281, %dma_start3A_292] : memref<51200x1024xf32, #tpu.memory_space<hbm>> -> memref<16x1024xf32, #tpu.memory_space<hbm>>
      %dma_start3A_294 = arith.constant 0 : i32
      %dma_start3A_295 = arith.constant 0 : i32
      %dma_start3A_296 = tpu.memref_slice %arg6[%dma_start3A_282, %dma_start3A_294, %dma_start3A_295] : memref<5x16x1024xf32, #tpu.memory_space<vmem>> -> memref<1x16x1024xf32, #tpu.memory_space<vmem>>
      %dma_start3A_297 = tpu.memref_squeeze %dma_start3A_296 : memref<1x16x1024xf32, #tpu.memory_space<vmem>> -> memref<16x1024xf32, #tpu.memory_space<vmem>>
      tpu.enqueue_dma source(%dma_start3A_297 : memref<16x1024xf32, #tpu.memory_space<vmem>>) target(%dma_start3A_293 : memref<16x1024xf32, #tpu.memory_space<hbm>>) target_semaphore(%dma_start3A_291 : memref<!tpu.dma_semaphore, #tpu.memory_space<semaphore_mem>>)
      %get3A_298 = arith.constant 0 : index
      %get3A_299 = tpu.vector_load %arg5[%get3A_298] {strides = array<i32>} : memref<1600xi32, #tpu.memory_space<vmem>>, vector<16xi32>,
      %get3A_300 = vector.shape_cast %get3A_299 : vector<16xi32> to vector<16xi32>
      %dma_wait3A_301 = arith.constant 4 : i32
      %dma_wait3A_302 = arith.constant 4 : i32
      %dma_wait3A_303 = arith.constant 0 : i32
      %dma_wait3A_304 = arith.constant 0 : i32
      %dma_wait3A_305 = tpu.memref_slice %arg6[%dma_wait3A_301, %dma_wait3A_303, %dma_wait3A_304] : memref<5x16x1024xf32, #tpu.memory_space<vmem>> -> memref<1x16x1024xf32, #tpu.memory_space<vmem>>
      %dma_wait3A_306 = tpu.memref_squeeze %dma_wait3A_305 : memref<1x16x1024xf32, #tpu.memory_space<vmem>> -> memref<16x1024xf32, #tpu.memory_space<vmem>>
      %dma_wait3A_307 = arith.constant 0 : i32
      %dma_wait3A_308 = arith.constant 0 : i32
      %dma_wait3A_309 = tpu.memref_slice %arg3[%dma_wait3A_307, %dma_wait3A_308] : memref<1000x1024xf32, #tpu.memory_space<hbm>> -> memref<1000x1024xf32, #tpu.memory_space<hbm>>
      %dma_wait3A_310 = tpu.memref_slice %arg7[%dma_wait3A_302] : memref<5x!tpu.dma_semaphore, #tpu.memory_space<semaphore_mem>> -> memref<1x!tpu.dma_semaphore, #tpu.memory_space<semaphore_mem>>
      %dma_wait3A_311 = tpu.memref_squeeze %dma_wait3A_310 : memref<1x!tpu.dma_semaphore, #tpu.memory_space<semaphore_mem>> -> memref<!tpu.dma_semaphore, #tpu.memory_space<semaphore_mem>>
      tpu.wait_indirect_dma semaphore(%dma_wait3A_311 : memref<!tpu.dma_semaphore, #tpu.memory_space<semaphore_mem>>) src(%dma_wait3A_309 : memref<1000x1024xf32, #tpu.memory_space<hbm>>) dst(%dma_wait3A_306 : memref<16x1024xf32, #tpu.memory_space<vmem>>)
      %add3A_312 = arith.constant 4 : i32
      %add3A_313 = arith.addi %mul3A_157, %add3A_312 : i32
      %mul3A_314 = arith.constant 16 : i32
      %mul3A_315 = arith.muli %add3A_313, %mul3A_314 : i32
      %add3A_316 = arith.addi %mul3A_2, %mul3A_315 : i32
      %dma_start3A_317 = arith.constant 4 : i32
      %dma_start3A_318 = arith.constant 4 : i32
      %dma_start3A_319 = arith.constant 0 : i32
      %dma_start3A_320 = arith.constant 0 : i32
      %dma_start3A_321 = tpu.memref_slice %arg6[%dma_start3A_317, %dma_start3A_319, %dma_start3A_320] : memref<5x16x1024xf32, #tpu.memory_space<vmem>> -> memref<1x16x1024xf32, #tpu.memory_space<vmem>>
      %dma_start3A_322 = tpu.memref_squeeze %dma_start3A_321 : memref<1x16x1024xf32, #tpu.memory_space<vmem>> -> memref<16x1024xf32, #tpu.memory_space<vmem>>
      %dma_start3A_323 = arith.constant 0 : i32
      %dma_start3A_324 = tpu.memref_slice %arg4[%add3A_316, %dma_start3A_323] : memref<51200x1024xf32, #tpu.memory_space<hbm>> -> memref<16x1024xf32, #tpu.memory_space<hbm>>
      %dma_start3A_325 = tpu.memref_slice %arg8[%dma_start3A_318] : memref<5x!tpu.dma_semaphore, #tpu.memory_space<semaphore_mem>> -> memref<1x!tpu.dma_semaphore, #tpu.memory_space<semaphore_mem>>
      %dma_start3A_326 = tpu.memref_squeeze %dma_start3A_325 : memref<1x!tpu.dma_semaphore, #tpu.memory_space<semaphore_mem>> -> memref<!tpu.dma_semaphore, #tpu.memory_space<semaphore_mem>>
      %dma_start3A_327 = arith.constant 0 : i32
      %dma_start3A_328 = tpu.memref_slice %arg4[%add3A_316, %dma_start3A_327] : memref<51200x1024xf32, #tpu.memory_space<hbm>> -> memref<16x1024xf32, #tpu.memory_space<hbm>>
      %dma_start3A_329 = arith.constant 0 : i32
      %dma_start3A_330 = arith.constant 0 : i32
      %dma_start3A_331 = tpu.memref_slice %arg6[%dma_start3A_317, %dma_start3A_329, %dma_start3A_330] : memref<5x16x1024xf32, #tpu.memory_space<vmem>> -> memref<1x16x1024xf32, #tpu.memory_space<vmem>>
      %dma_start3A_332 = tpu.memref_squeeze %dma_start3A_331 : memref<1x16x1024xf32, #tpu.memory_space<vmem>> -> memref<16x1024xf32, #tpu.memory_space<vmem>>
      tpu.enqueue_dma source(%dma_start3A_332 : memref<16x1024xf32, #tpu.memory_space<vmem>>) target(%dma_start3A_328 : memref<16x1024xf32, #tpu.memory_space<hbm>>) target_semaphore(%dma_start3A_326 : memref<!tpu.dma_semaphore, #tpu.memory_space<semaphore_mem>>)
      %lt3A = arith.constant 19 : i32
      %lt3A_333 = arith.cmpi slt, %scan3A_155, %lt3A : i32
      %convert_element_type3A = arith.extui %lt3A_333 : i1 to i32
      %cond3A = arith.constant 0 : i32
      %cond3A_334 = arith.cmpi ne, %convert_element_type3A, %cond3A : i32
      scf.if %cond3A_334 {
        %dma_wait3A_335 = arith.constant 0 : i32
        %dma_wait3A_336 = arith.constant 0 : i32
        %dma_wait3A_337 = arith.constant 0 : i32
        %dma_wait3A_338 = arith.constant 0 : i32
        %dma_wait3A_339 = tpu.memref_slice %arg6[%dma_wait3A_335, %dma_wait3A_337, %dma_wait3A_338] : memref<5x16x1024xf32, #tpu.memory_space<vmem>> -> memref<1x16x1024xf32, #tpu.memory_space<vmem>>
        %dma_wait3A_340 = tpu.memref_squeeze %dma_wait3A_339 : memref<1x16x1024xf32, #tpu.memory_space<vmem>> -> memref<16x1024xf32, #tpu.memory_space<vmem>>
        %dma_wait3A_341 = arith.constant 0 : i32
        %dma_wait3A_342 = tpu.memref_slice %arg4[%mul3A_2, %dma_wait3A_341] : memref<51200x1024xf32, #tpu.memory_space<hbm>> -> memref<16x1024xf32, #tpu.memory_space<hbm>>
        %dma_wait3A_343 = tpu.memref_slice %arg8[%dma_wait3A_336] : memref<5x!tpu.dma_semaphore, #tpu.memory_space<semaphore_mem>> -> memref<1x!tpu.dma_semaphore, #tpu.memory_space<semaphore_mem>>
        %dma_wait3A_344 = tpu.memref_squeeze %dma_wait3A_343 : memref<1x!tpu.dma_semaphore, #tpu.memory_space<semaphore_mem>> -> memref<!tpu.dma_semaphore, #tpu.memory_space<semaphore_mem>>
        %dma_wait3A_345 = arith.constant 0 : i32
        %dma_wait3A_346 = tpu.memref_slice %arg4[%mul3A_2, %dma_wait3A_345] : memref<51200x1024xf32, #tpu.memory_space<hbm>> -> memref<16x1024xf32, #tpu.memory_space<hbm>>
        %dma_wait3A_347 = arith.constant 0 : i32
        %dma_wait3A_348 = arith.constant 0 : i32
        %dma_wait3A_349 = tpu.memref_slice %arg6[%dma_wait3A_335, %dma_wait3A_347, %dma_wait3A_348] : memref<5x16x1024xf32, #tpu.memory_space<vmem>> -> memref<1x16x1024xf32, #tpu.memory_space<vmem>>
        %dma_wait3A_350 = tpu.memref_squeeze %dma_wait3A_349 : memref<1x16x1024xf32, #tpu.memory_space<vmem>> -> memref<16x1024xf32, #tpu.memory_space<vmem>>
        tpu.wait_dma2 semaphore(%dma_wait3A_344 : memref<!tpu.dma_semaphore, #tpu.memory_space<semaphore_mem>>) src(%dma_wait3A_350 : memref<16x1024xf32, #tpu.memory_space<vmem>>) dst(%dma_wait3A_346 : memref<16x1024xf32, #tpu.memory_space<hbm>>)
        %add3A_351 = arith.constant 5 : i32
        %add3A_352 = arith.addi %mul3A_157, %add3A_351 : i32
        %add3A_353 = arith.constant 0 : i32
        %add3A_354 = arith.addi %add3A_352, %add3A_353 : i32
        %mul3A_355 = arith.constant 16 : i32
        %mul3A_356 = arith.muli %add3A_354, %mul3A_355 : i32
        %get3A_357 = arith.index_cast %mul3A_356 : i32 to index
        %get3A_358 = tpu.vector_load %arg5[%get3A_357] {strides = array<i32>} : memref<1600xi32, #tpu.memory_space<vmem>>, vector<16xi32>,
        %get3A_359 = vector.shape_cast %get3A_358 : vector<16xi32> to vector<16xi32>
        %dma_start3A_360 = arith.constant 0 : i32
        %dma_start3A_361 = arith.constant 0 : i32
        %dma_start3A_362 = arith.constant 0 : i32
        %dma_start3A_363 = arith.constant 0 : i32
        %dma_start3A_364 = tpu.memref_slice %arg6[%dma_start3A_360, %dma_start3A_362, %dma_start3A_363] : memref<5x16x1024xf32, #tpu.memory_space<vmem>> -> memref<1x16x1024xf32, #tpu.memory_space<vmem>>
        %dma_start3A_365 = tpu.memref_squeeze %dma_start3A_364 : memref<1x16x1024xf32, #tpu.memory_space<vmem>> -> memref<16x1024xf32, #tpu.memory_space<vmem>>
        %dma_start3A_366 = arith.constant 0 : i32
        %dma_start3A_367 = arith.constant 0 : i32
        %dma_start3A_368 = tpu.memref_slice %arg3[%dma_start3A_366, %dma_start3A_367] : memref<1000x1024xf32, #tpu.memory_space<hbm>> -> memref<1000x1024xf32, #tpu.memory_space<hbm>>
        %dma_start3A_369 = tpu.memref_slice %arg7[%dma_start3A_361] : memref<5x!tpu.dma_semaphore, #tpu.memory_space<semaphore_mem>> -> memref<1x!tpu.dma_semaphore, #tpu.memory_space<semaphore_mem>>
        %dma_start3A_370 = tpu.memref_squeeze %dma_start3A_369 : memref<1x!tpu.dma_semaphore, #tpu.memory_space<semaphore_mem>> -> memref<!tpu.dma_semaphore, #tpu.memory_space<semaphore_mem>>
        tpu.enqueue_indirect_dma source(%dma_start3A_368 : memref<1000x1024xf32, #tpu.memory_space<hbm>>) target(%dma_start3A_365 : memref<16x1024xf32, #tpu.memory_space<vmem>>) offsets(%get3A_359 : vector<16xi32>) semaphore(%dma_start3A_370 : memref<!tpu.dma_semaphore, #tpu.memory_space<semaphore_mem>>)
        %dma_wait3A_371 = arith.constant 1 : i32
        %dma_wait3A_372 = arith.constant 1 : i32
        %dma_wait3A_373 = arith.constant 0 : i32
        %dma_wait3A_374 = arith.constant 0 : i32
        %dma_wait3A_375 = tpu.memref_slice %arg6[%dma_wait3A_371, %dma_wait3A_373, %dma_wait3A_374] : memref<5x16x1024xf32, #tpu.memory_space<vmem>> -> memref<1x16x1024xf32, #tpu.memory_space<vmem>>
        %dma_wait3A_376 = tpu.memref_squeeze %dma_wait3A_375 : memref<1x16x1024xf32, #tpu.memory_space<vmem>> -> memref<16x1024xf32, #tpu.memory_space<vmem>>
        %dma_wait3A_377 = arith.constant 0 : i32
        %dma_wait3A_378 = tpu.memref_slice %arg4[%mul3A_2, %dma_wait3A_377] : memref<51200x1024xf32, #tpu.memory_space<hbm>> -> memref<16x1024xf32, #tpu.memory_space<hbm>>
        %dma_wait3A_379 = tpu.memref_slice %arg8[%dma_wait3A_372] : memref<5x!tpu.dma_semaphore, #tpu.memory_space<semaphore_mem>> -> memref<1x!tpu.dma_semaphore, #tpu.memory_space<semaphore_mem>>
        %dma_wait3A_380 = tpu.memref_squeeze %dma_wait3A_379 : memref<1x!tpu.dma_semaphore, #tpu.memory_space<semaphore_mem>> -> memref<!tpu.dma_semaphore, #tpu.memory_space<semaphore_mem>>
        %dma_wait3A_381 = arith.constant 0 : i32
        %dma_wait3A_382 = tpu.memref_slice %arg4[%mul3A_2, %dma_wait3A_381] : memref<51200x1024xf32, #tpu.memory_space<hbm>> -> memref<16x1024xf32, #tpu.memory_space<hbm>>
        %dma_wait3A_383 = arith.constant 0 : i32
        %dma_wait3A_384 = arith.constant 0 : i32
        %dma_wait3A_385 = tpu.memref_slice %arg6[%dma_wait3A_371, %dma_wait3A_383, %dma_wait3A_384] : memref<5x16x1024xf32, #tpu.memory_space<vmem>> -> memref<1x16x1024xf32, #tpu.memory_space<vmem>>
        %dma_wait3A_386 = tpu.memref_squeeze %dma_wait3A_385 : memref<1x16x1024xf32, #tpu.memory_space<vmem>> -> memref<16x1024xf32, #tpu.memory_space<vmem>>
        tpu.wait_dma2 semaphore(%dma_wait3A_380 : memref<!tpu.dma_semaphore, #tpu.memory_space<semaphore_mem>>) src(%dma_wait3A_386 : memref<16x1024xf32, #tpu.memory_space<vmem>>) dst(%dma_wait3A_382 : memref<16x1024xf32, #tpu.memory_space<hbm>>)
        %add3A_387 = arith.constant 5 : i32
        %add3A_388 = arith.addi %mul3A_157, %add3A_387 : i32
        %add3A_389 = arith.constant 1 : i32
        %add3A_390 = arith.addi %add3A_388, %add3A_389 : i32
        %mul3A_391 = arith.constant 16 : i32
        %mul3A_392 = arith.muli %add3A_390, %mul3A_391 : i32
        %get3A_393 = arith.index_cast %mul3A_392 : i32 to index
        %get3A_394 = tpu.vector_load %arg5[%get3A_393] {strides = array<i32>} : memref<1600xi32, #tpu.memory_space<vmem>>, vector<16xi32>,
        %get3A_395 = vector.shape_cast %get3A_394 : vector<16xi32> to vector<16xi32>
        %dma_start3A_396 = arith.constant 1 : i32
        %dma_start3A_397 = arith.constant 1 : i32
        %dma_start3A_398 = arith.constant 0 : i32
        %dma_start3A_399 = arith.constant 0 : i32
        %dma_start3A_400 = tpu.memref_slice %arg6[%dma_start3A_396, %dma_start3A_398, %dma_start3A_399] : memref<5x16x1024xf32, #tpu.memory_space<vmem>> -> memref<1x16x1024xf32, #tpu.memory_space<vmem>>
        %dma_start3A_401 = tpu.memref_squeeze %dma_start3A_400 : memref<1x16x1024xf32, #tpu.memory_space<vmem>> -> memref<16x1024xf32, #tpu.memory_space<vmem>>
        %dma_start3A_402 = arith.constant 0 : i32
        %dma_start3A_403 = arith.constant 0 : i32
        %dma_start3A_404 = tpu.memref_slice %arg3[%dma_start3A_402, %dma_start3A_403] : memref<1000x1024xf32, #tpu.memory_space<hbm>> -> memref<1000x1024xf32, #tpu.memory_space<hbm>>
        %dma_start3A_405 = tpu.memref_slice %arg7[%dma_start3A_397] : memref<5x!tpu.dma_semaphore, #tpu.memory_space<semaphore_mem>> -> memref<1x!tpu.dma_semaphore, #tpu.memory_space<semaphore_mem>>
        %dma_start3A_406 = tpu.memref_squeeze %dma_start3A_405 : memref<1x!tpu.dma_semaphore, #tpu.memory_space<semaphore_mem>> -> memref<!tpu.dma_semaphore, #tpu.memory_space<semaphore_mem>>
        tpu.enqueue_indirect_dma source(%dma_start3A_404 : memref<1000x1024xf32, #tpu.memory_space<hbm>>) target(%dma_start3A_401 : memref<16x1024xf32, #tpu.memory_space<vmem>>) offsets(%get3A_395 : vector<16xi32>) semaphore(%dma_start3A_406 : memref<!tpu.dma_semaphore, #tpu.memory_space<semaphore_mem>>)
        %dma_wait3A_407 = arith.constant 2 : i32
        %dma_wait3A_408 = arith.constant 2 : i32
        %dma_wait3A_409 = arith.constant 0 : i32
        %dma_wait3A_410 = arith.constant 0 : i32
        %dma_wait3A_411 = tpu.memref_slice %arg6[%dma_wait3A_407, %dma_wait3A_409, %dma_wait3A_410] : memref<5x16x1024xf32, #tpu.memory_space<vmem>> -> memref<1x16x1024xf32, #tpu.memory_space<vmem>>
        %dma_wait3A_412 = tpu.memref_squeeze %dma_wait3A_411 : memref<1x16x1024xf32, #tpu.memory_space<vmem>> -> memref<16x1024xf32, #tpu.memory_space<vmem>>
        %dma_wait3A_413 = arith.constant 0 : i32
        %dma_wait3A_414 = tpu.memref_slice %arg4[%mul3A_2, %dma_wait3A_413] : memref<51200x1024xf32, #tpu.memory_space<hbm>> -> memref<16x1024xf32, #tpu.memory_space<hbm>>
        %dma_wait3A_415 = tpu.memref_slice %arg8[%dma_wait3A_408] : memref<5x!tpu.dma_semaphore, #tpu.memory_space<semaphore_mem>> -> memref<1x!tpu.dma_semaphore, #tpu.memory_space<semaphore_mem>>
        %dma_wait3A_416 = tpu.memref_squeeze %dma_wait3A_415 : memref<1x!tpu.dma_semaphore, #tpu.memory_space<semaphore_mem>> -> memref<!tpu.dma_semaphore, #tpu.memory_space<semaphore_mem>>
        %dma_wait3A_417 = arith.constant 0 : i32
        %dma_wait3A_418 = tpu.memref_slice %arg4[%mul3A_2, %dma_wait3A_417] : memref<51200x1024xf32, #tpu.memory_space<hbm>> -> memref<16x1024xf32, #tpu.memory_space<hbm>>
        %dma_wait3A_419 = arith.constant 0 : i32
        %dma_wait3A_420 = arith.constant 0 : i32
        %dma_wait3A_421 = tpu.memref_slice %arg6[%dma_wait3A_407, %dma_wait3A_419, %dma_wait3A_420] : memref<5x16x1024xf32, #tpu.memory_space<vmem>> -> memref<1x16x1024xf32, #tpu.memory_space<vmem>>
        %dma_wait3A_422 = tpu.memref_squeeze %dma_wait3A_421 : memref<1x16x1024xf32, #tpu.memory_space<vmem>> -> memref<16x1024xf32, #tpu.memory_space<vmem>>
        tpu.wait_dma2 semaphore(%dma_wait3A_416 : memref<!tpu.dma_semaphore, #tpu.memory_space<semaphore_mem>>) src(%dma_wait3A_422 : memref<16x1024xf32, #tpu.memory_space<vmem>>) dst(%dma_wait3A_418 : memref<16x1024xf32, #tpu.memory_space<hbm>>)
        %add3A_423 = arith.constant 5 : i32
        %add3A_424 = arith.addi %mul3A_157, %add3A_423 : i32
        %add3A_425 = arith.constant 2 : i32
        %add3A_426 = arith.addi %add3A_424, %add3A_425 : i32
        %mul3A_427 = arith.constant 16 : i32
        %mul3A_428 = arith.muli %add3A_426, %mul3A_427 : i32
        %get3A_429 = arith.index_cast %mul3A_428 : i32 to index
        %get3A_430 = tpu.vector_load %arg5[%get3A_429] {strides = array<i32>} : memref<1600xi32, #tpu.memory_space<vmem>>, vector<16xi32>,
        %get3A_431 = vector.shape_cast %get3A_430 : vector<16xi32> to vector<16xi32>
        %dma_start3A_432 = arith.constant 2 : i32
        %dma_start3A_433 = arith.constant 2 : i32
        %dma_start3A_434 = arith.constant 0 : i32
        %dma_start3A_435 = arith.constant 0 : i32
        %dma_start3A_436 = tpu.memref_slice %arg6[%dma_start3A_432, %dma_start3A_434, %dma_start3A_435] : memref<5x16x1024xf32, #tpu.memory_space<vmem>> -> memref<1x16x1024xf32, #tpu.memory_space<vmem>>
        %dma_start3A_437 = tpu.memref_squeeze %dma_start3A_436 : memref<1x16x1024xf32, #tpu.memory_space<vmem>> -> memref<16x1024xf32, #tpu.memory_space<vmem>>
        %dma_start3A_438 = arith.constant 0 : i32
        %dma_start3A_439 = arith.constant 0 : i32
        %dma_start3A_440 = tpu.memref_slice %arg3[%dma_start3A_438, %dma_start3A_439] : memref<1000x1024xf32, #tpu.memory_space<hbm>> -> memref<1000x1024xf32, #tpu.memory_space<hbm>>
        %dma_start3A_441 = tpu.memref_slice %arg7[%dma_start3A_433] : memref<5x!tpu.dma_semaphore, #tpu.memory_space<semaphore_mem>> -> memref<1x!tpu.dma_semaphore, #tpu.memory_space<semaphore_mem>>
        %dma_start3A_442 = tpu.memref_squeeze %dma_start3A_441 : memref<1x!tpu.dma_semaphore, #tpu.memory_space<semaphore_mem>> -> memref<!tpu.dma_semaphore, #tpu.memory_space<semaphore_mem>>
        tpu.enqueue_indirect_dma source(%dma_start3A_440 : memref<1000x1024xf32, #tpu.memory_space<hbm>>) target(%dma_start3A_437 : memref<16x1024xf32, #tpu.memory_space<vmem>>) offsets(%get3A_431 : vector<16xi32>) semaphore(%dma_start3A_442 : memref<!tpu.dma_semaphore, #tpu.memory_space<semaphore_mem>>)
        %dma_wait3A_443 = arith.constant 3 : i32
        %dma_wait3A_444 = arith.constant 3 : i32
        %dma_wait3A_445 = arith.constant 0 : i32
        %dma_wait3A_446 = arith.constant 0 : i32
        %dma_wait3A_447 = tpu.memref_slice %arg6[%dma_wait3A_443, %dma_wait3A_445, %dma_wait3A_446] : memref<5x16x1024xf32, #tpu.memory_space<vmem>> -> memref<1x16x1024xf32, #tpu.memory_space<vmem>>
        %dma_wait3A_448 = tpu.memref_squeeze %dma_wait3A_447 : memref<1x16x1024xf32, #tpu.memory_space<vmem>> -> memref<16x1024xf32, #tpu.memory_space<vmem>>
        %dma_wait3A_449 = arith.constant 0 : i32
        %dma_wait3A_450 = tpu.memref_slice %arg4[%mul3A_2, %dma_wait3A_449] : memref<51200x1024xf32, #tpu.memory_space<hbm>> -> memref<16x1024xf32, #tpu.memory_space<hbm>>
        %dma_wait3A_451 = tpu.memref_slice %arg8[%dma_wait3A_444] : memref<5x!tpu.dma_semaphore, #tpu.memory_space<semaphore_mem>> -> memref<1x!tpu.dma_semaphore, #tpu.memory_space<semaphore_mem>>
        %dma_wait3A_452 = tpu.memref_squeeze %dma_wait3A_451 : memref<1x!tpu.dma_semaphore, #tpu.memory_space<semaphore_mem>> -> memref<!tpu.dma_semaphore, #tpu.memory_space<semaphore_mem>>
        %dma_wait3A_453 = arith.constant 0 : i32
        %dma_wait3A_454 = tpu.memref_slice %arg4[%mul3A_2, %dma_wait3A_453] : memref<51200x1024xf32, #tpu.memory_space<hbm>> -> memref<16x1024xf32, #tpu.memory_space<hbm>>
        %dma_wait3A_455 = arith.constant 0 : i32
        %dma_wait3A_456 = arith.constant 0 : i32
        %dma_wait3A_457 = tpu.memref_slice %arg6[%dma_wait3A_443, %dma_wait3A_455, %dma_wait3A_456] : memref<5x16x1024xf32, #tpu.memory_space<vmem>> -> memref<1x16x1024xf32, #tpu.memory_space<vmem>>
        %dma_wait3A_458 = tpu.memref_squeeze %dma_wait3A_457 : memref<1x16x1024xf32, #tpu.memory_space<vmem>> -> memref<16x1024xf32, #tpu.memory_space<vmem>>
        tpu.wait_dma2 semaphore(%dma_wait3A_452 : memref<!tpu.dma_semaphore, #tpu.memory_space<semaphore_mem>>) src(%dma_wait3A_458 : memref<16x1024xf32, #tpu.memory_space<vmem>>) dst(%dma_wait3A_454 : memref<16x1024xf32, #tpu.memory_space<hbm>>)
        %add3A_459 = arith.constant 5 : i32
        %add3A_460 = arith.addi %mul3A_157, %add3A_459 : i32
        %add3A_461 = arith.constant 3 : i32
        %add3A_462 = arith.addi %add3A_460, %add3A_461 : i32
        %mul3A_463 = arith.constant 16 : i32
        %mul3A_464 = arith.muli %add3A_462, %mul3A_463 : i32
        %get3A_465 = arith.index_cast %mul3A_464 : i32 to index
        %get3A_466 = tpu.vector_load %arg5[%get3A_465] {strides = array<i32>} : memref<1600xi32, #tpu.memory_space<vmem>>, vector<16xi32>,
        %get3A_467 = vector.shape_cast %get3A_466 : vector<16xi32> to vector<16xi32>
        %dma_start3A_468 = arith.constant 3 : i32
        %dma_start3A_469 = arith.constant 3 : i32
        %dma_start3A_470 = arith.constant 0 : i32
        %dma_start3A_471 = arith.constant 0 : i32
        %dma_start3A_472 = tpu.memref_slice %arg6[%dma_start3A_468, %dma_start3A_470, %dma_start3A_471] : memref<5x16x1024xf32, #tpu.memory_space<vmem>> -> memref<1x16x1024xf32, #tpu.memory_space<vmem>>
        %dma_start3A_473 = tpu.memref_squeeze %dma_start3A_472 : memref<1x16x1024xf32, #tpu.memory_space<vmem>> -> memref<16x1024xf32, #tpu.memory_space<vmem>>
        %dma_start3A_474 = arith.constant 0 : i32
        %dma_start3A_475 = arith.constant 0 : i32
        %dma_start3A_476 = tpu.memref_slice %arg3[%dma_start3A_474, %dma_start3A_475] : memref<1000x1024xf32, #tpu.memory_space<hbm>> -> memref<1000x1024xf32, #tpu.memory_space<hbm>>
        %dma_start3A_477 = tpu.memref_slice %arg7[%dma_start3A_469] : memref<5x!tpu.dma_semaphore, #tpu.memory_space<semaphore_mem>> -> memref<1x!tpu.dma_semaphore, #tpu.memory_space<semaphore_mem>>
        %dma_start3A_478 = tpu.memref_squeeze %dma_start3A_477 : memref<1x!tpu.dma_semaphore, #tpu.memory_space<semaphore_mem>> -> memref<!tpu.dma_semaphore, #tpu.memory_space<semaphore_mem>>
        tpu.enqueue_indirect_dma source(%dma_start3A_476 : memref<1000x1024xf32, #tpu.memory_space<hbm>>) target(%dma_start3A_473 : memref<16x1024xf32, #tpu.memory_space<vmem>>) offsets(%get3A_467 : vector<16xi32>) semaphore(%dma_start3A_478 : memref<!tpu.dma_semaphore, #tpu.memory_space<semaphore_mem>>)
        %dma_wait3A_479 = arith.constant 4 : i32
        %dma_wait3A_480 = arith.constant 4 : i32
        %dma_wait3A_481 = arith.constant 0 : i32
        %dma_wait3A_482 = arith.constant 0 : i32
        %dma_wait3A_483 = tpu.memref_slice %arg6[%dma_wait3A_479, %dma_wait3A_481, %dma_wait3A_482] : memref<5x16x1024xf32, #tpu.memory_space<vmem>> -> memref<1x16x1024xf32, #tpu.memory_space<vmem>>
        %dma_wait3A_484 = tpu.memref_squeeze %dma_wait3A_483 : memref<1x16x1024xf32, #tpu.memory_space<vmem>> -> memref<16x1024xf32, #tpu.memory_space<vmem>>
        %dma_wait3A_485 = arith.constant 0 : i32
        %dma_wait3A_486 = tpu.memref_slice %arg4[%mul3A_2, %dma_wait3A_485] : memref<51200x1024xf32, #tpu.memory_space<hbm>> -> memref<16x1024xf32, #tpu.memory_space<hbm>>
        %dma_wait3A_487 = tpu.memref_slice %arg8[%dma_wait3A_480] : memref<5x!tpu.dma_semaphore, #tpu.memory_space<semaphore_mem>> -> memref<1x!tpu.dma_semaphore, #tpu.memory_space<semaphore_mem>>
        %dma_wait3A_488 = tpu.memref_squeeze %dma_wait3A_487 : memref<1x!tpu.dma_semaphore, #tpu.memory_space<semaphore_mem>> -> memref<!tpu.dma_semaphore, #tpu.memory_space<semaphore_mem>>
        %dma_wait3A_489 = arith.constant 0 : i32
        %dma_wait3A_490 = tpu.memref_slice %arg4[%mul3A_2, %dma_wait3A_489] : memref<51200x1024xf32, #tpu.memory_space<hbm>> -> memref<16x1024xf32, #tpu.memory_space<hbm>>
        %dma_wait3A_491 = arith.constant 0 : i32
        %dma_wait3A_492 = arith.constant 0 : i32
        %dma_wait3A_493 = tpu.memref_slice %arg6[%dma_wait3A_479, %dma_wait3A_491, %dma_wait3A_492] : memref<5x16x1024xf32, #tpu.memory_space<vmem>> -> memref<1x16x1024xf32, #tpu.memory_space<vmem>>
        %dma_wait3A_494 = tpu.memref_squeeze %dma_wait3A_493 : memref<1x16x1024xf32, #tpu.memory_space<vmem>> -> memref<16x1024xf32, #tpu.memory_space<vmem>>
        tpu.wait_dma2 semaphore(%dma_wait3A_488 : memref<!tpu.dma_semaphore, #tpu.memory_space<semaphore_mem>>) src(%dma_wait3A_494 : memref<16x1024xf32, #tpu.memory_space<vmem>>) dst(%dma_wait3A_490 : memref<16x1024xf32, #tpu.memory_space<hbm>>)
        %add3A_495 = arith.constant 5 : i32
        %add3A_496 = arith.addi %mul3A_157, %add3A_495 : i32
        %add3A_497 = arith.constant 4 : i32
        %add3A_498 = arith.addi %add3A_496, %add3A_497 : i32
        %mul3A_499 = arith.constant 16 : i32
        %mul3A_500 = arith.muli %add3A_498, %mul3A_499 : i32
        %get3A_501 = arith.index_cast %mul3A_500 : i32 to index
        %get3A_502 = tpu.vector_load %arg5[%get3A_501] {strides = array<i32>} : memref<1600xi32, #tpu.memory_space<vmem>>, vector<16xi32>,
        %get3A_503 = vector.shape_cast %get3A_502 : vector<16xi32> to vector<16xi32>
        %dma_start3A_504 = arith.constant 4 : i32
        %dma_start3A_505 = arith.constant 4 : i32
        %dma_start3A_506 = arith.constant 0 : i32
        %dma_start3A_507 = arith.constant 0 : i32
        %dma_start3A_508 = tpu.memref_slice %arg6[%dma_start3A_504, %dma_start3A_506, %dma_start3A_507] : memref<5x16x1024xf32, #tpu.memory_space<vmem>> -> memref<1x16x1024xf32, #tpu.memory_space<vmem>>
        %dma_start3A_509 = tpu.memref_squeeze %dma_start3A_508 : memref<1x16x1024xf32, #tpu.memory_space<vmem>> -> memref<16x1024xf32, #tpu.memory_space<vmem>>
        %dma_start3A_510 = arith.constant 0 : i32
        %dma_start3A_511 = arith.constant 0 : i32
        %dma_start3A_512 = tpu.memref_slice %arg3[%dma_start3A_510, %dma_start3A_511] : memref<1000x1024xf32, #tpu.memory_space<hbm>> -> memref<1000x1024xf32, #tpu.memory_space<hbm>>
        %dma_start3A_513 = tpu.memref_slice %arg7[%dma_start3A_505] : memref<5x!tpu.dma_semaphore, #tpu.memory_space<semaphore_mem>> -> memref<1x!tpu.dma_semaphore, #tpu.memory_space<semaphore_mem>>
        %dma_start3A_514 = tpu.memref_squeeze %dma_start3A_513 : memref<1x!tpu.dma_semaphore, #tpu.memory_space<semaphore_mem>> -> memref<!tpu.dma_semaphore, #tpu.memory_space<semaphore_mem>>
        tpu.enqueue_indirect_dma source(%dma_start3A_512 : memref<1000x1024xf32, #tpu.memory_space<hbm>>) target(%dma_start3A_509 : memref<16x1024xf32, #tpu.memory_space<vmem>>) offsets(%get3A_503 : vector<16xi32>) semaphore(%dma_start3A_514 : memref<!tpu.dma_semaphore, #tpu.memory_space<semaphore_mem>>)
      } else {
      }
    }
    %scan3A_75 = arith.constant 20 : i32
    %dma_wait3A = arith.constant 0 : i32
    %dma_wait3A_76 = arith.constant 0 : i32
    %dma_wait3A_77 = arith.constant 0 : i32
    %dma_wait3A_78 = arith.constant 0 : i32
    %dma_wait3A_79 = tpu.memref_slice %arg6[%dma_wait3A, %dma_wait3A_77, %dma_wait3A_78] : memref<5x16x1024xf32, #tpu.memory_space<vmem>> -> memref<1x16x1024xf32, #tpu.memory_space<vmem>>
    %dma_wait3A_80 = tpu.memref_squeeze %dma_wait3A_79 : memref<1x16x1024xf32, #tpu.memory_space<vmem>> -> memref<16x1024xf32, #tpu.memory_space<vmem>>
    %dma_wait3A_81 = arith.constant 0 : i32
    %dma_wait3A_82 = tpu.memref_slice %arg4[%mul3A_2, %dma_wait3A_81] : memref<51200x1024xf32, #tpu.memory_space<hbm>> -> memref<16x1024xf32, #tpu.memory_space<hbm>>
    %dma_wait3A_83 = tpu.memref_slice %arg8[%dma_wait3A_76] : memref<5x!tpu.dma_semaphore, #tpu.memory_space<semaphore_mem>> -> memref<1x!tpu.dma_semaphore, #tpu.memory_space<semaphore_mem>>
    %dma_wait3A_84 = tpu.memref_squeeze %dma_wait3A_83 : memref<1x!tpu.dma_semaphore, #tpu.memory_space<semaphore_mem>> -> memref<!tpu.dma_semaphore, #tpu.memory_space<semaphore_mem>>
    %dma_wait3A_85 = arith.constant 0 : i32
    %dma_wait3A_86 = tpu.memref_slice %arg4[%mul3A_2, %dma_wait3A_85] : memref<51200x1024xf32, #tpu.memory_space<hbm>> -> memref<16x1024xf32, #tpu.memory_space<hbm>>
    %dma_wait3A_87 = arith.constant 0 : i32
    %dma_wait3A_88 = arith.constant 0 : i32
    %dma_wait3A_89 = tpu.memref_slice %arg6[%dma_wait3A, %dma_wait3A_87, %dma_wait3A_88] : memref<5x16x1024xf32, #tpu.memory_space<vmem>> -> memref<1x16x1024xf32, #tpu.memory_space<vmem>>
    %dma_wait3A_90 = tpu.memref_squeeze %dma_wait3A_89 : memref<1x16x1024xf32, #tpu.memory_space<vmem>> -> memref<16x1024xf32, #tpu.memory_space<vmem>>
    tpu.wait_dma2 semaphore(%dma_wait3A_84 : memref<!tpu.dma_semaphore, #tpu.memory_space<semaphore_mem>>) src(%dma_wait3A_90 : memref<16x1024xf32, #tpu.memory_space<vmem>>) dst(%dma_wait3A_86 : memref<16x1024xf32, #tpu.memory_space<hbm>>)
    %dma_wait3A_91 = arith.constant 1 : i32
    %dma_wait3A_92 = arith.constant 1 : i32
    %dma_wait3A_93 = arith.constant 0 : i32
    %dma_wait3A_94 = arith.constant 0 : i32
    %dma_wait3A_95 = tpu.memref_slice %arg6[%dma_wait3A_91, %dma_wait3A_93, %dma_wait3A_94] : memref<5x16x1024xf32, #tpu.memory_space<vmem>> -> memref<1x16x1024xf32, #tpu.memory_space<vmem>>
    %dma_wait3A_96 = tpu.memref_squeeze %dma_wait3A_95 : memref<1x16x1024xf32, #tpu.memory_space<vmem>> -> memref<16x1024xf32, #tpu.memory_space<vmem>>
    %dma_wait3A_97 = arith.constant 0 : i32
    %dma_wait3A_98 = tpu.memref_slice %arg4[%mul3A_2, %dma_wait3A_97] : memref<51200x1024xf32, #tpu.memory_space<hbm>> -> memref<16x1024xf32, #tpu.memory_space<hbm>>
    %dma_wait3A_99 = tpu.memref_slice %arg8[%dma_wait3A_92] : memref<5x!tpu.dma_semaphore, #tpu.memory_space<semaphore_mem>> -> memref<1x!tpu.dma_semaphore, #tpu.memory_space<semaphore_mem>>
    %dma_wait3A_100 = tpu.memref_squeeze %dma_wait3A_99 : memref<1x!tpu.dma_semaphore, #tpu.memory_space<semaphore_mem>> -> memref<!tpu.dma_semaphore, #tpu.memory_space<semaphore_mem>>
    %dma_wait3A_101 = arith.constant 0 : i32
    %dma_wait3A_102 = tpu.memref_slice %arg4[%mul3A_2, %dma_wait3A_101] : memref<51200x1024xf32, #tpu.memory_space<hbm>> -> memref<16x1024xf32, #tpu.memory_space<hbm>>
    %dma_wait3A_103 = arith.constant 0 : i32
    %dma_wait3A_104 = arith.constant 0 : i32
    %dma_wait3A_105 = tpu.memref_slice %arg6[%dma_wait3A_91, %dma_wait3A_103, %dma_wait3A_104] : memref<5x16x1024xf32, #tpu.memory_space<vmem>> -> memref<1x16x1024xf32, #tpu.memory_space<vmem>>
    %dma_wait3A_106 = tpu.memref_squeeze %dma_wait3A_105 : memref<1x16x1024xf32, #tpu.memory_space<vmem>> -> memref<16x1024xf32, #tpu.memory_space<vmem>>
    tpu.wait_dma2 semaphore(%dma_wait3A_100 : memref<!tpu.dma_semaphore, #tpu.memory_space<semaphore_mem>>) src(%dma_wait3A_106 : memref<16x1024xf32, #tpu.memory_space<vmem>>) dst(%dma_wait3A_102 : memref<16x1024xf32, #tpu.memory_space<hbm>>)
    %dma_wait3A_107 = arith.constant 2 : i32
    %dma_wait3A_108 = arith.constant 2 : i32
    %dma_wait3A_109 = arith.constant 0 : i32
    %dma_wait3A_110 = arith.constant 0 : i32
    %dma_wait3A_111 = tpu.memref_slice %arg6[%dma_wait3A_107, %dma_wait3A_109, %dma_wait3A_110] : memref<5x16x1024xf32, #tpu.memory_space<vmem>> -> memref<1x16x1024xf32, #tpu.memory_space<vmem>>
    %dma_wait3A_112 = tpu.memref_squeeze %dma_wait3A_111 : memref<1x16x1024xf32, #tpu.memory_space<vmem>> -> memref<16x1024xf32, #tpu.memory_space<vmem>>
    %dma_wait3A_113 = arith.constant 0 : i32
    %dma_wait3A_114 = tpu.memref_slice %arg4[%mul3A_2, %dma_wait3A_113] : memref<51200x1024xf32, #tpu.memory_space<hbm>> -> memref<16x1024xf32, #tpu.memory_space<hbm>>
    %dma_wait3A_115 = tpu.memref_slice %arg8[%dma_wait3A_108] : memref<5x!tpu.dma_semaphore, #tpu.memory_space<semaphore_mem>> -> memref<1x!tpu.dma_semaphore, #tpu.memory_space<semaphore_mem>>
    %dma_wait3A_116 = tpu.memref_squeeze %dma_wait3A_115 : memref<1x!tpu.dma_semaphore, #tpu.memory_space<semaphore_mem>> -> memref<!tpu.dma_semaphore, #tpu.memory_space<semaphore_mem>>
    %dma_wait3A_117 = arith.constant 0 : i32
    %dma_wait3A_118 = tpu.memref_slice %arg4[%mul3A_2, %dma_wait3A_117] : memref<51200x1024xf32, #tpu.memory_space<hbm>> -> memref<16x1024xf32, #tpu.memory_space<hbm>>
    %dma_wait3A_119 = arith.constant 0 : i32
    %dma_wait3A_120 = arith.constant 0 : i32
    %dma_wait3A_121 = tpu.memref_slice %arg6[%dma_wait3A_107, %dma_wait3A_119, %dma_wait3A_120] : memref<5x16x1024xf32, #tpu.memory_space<vmem>> -> memref<1x16x1024xf32, #tpu.memory_space<vmem>>
    %dma_wait3A_122 = tpu.memref_squeeze %dma_wait3A_121 : memref<1x16x1024xf32, #tpu.memory_space<vmem>> -> memref<16x1024xf32, #tpu.memory_space<vmem>>
    tpu.wait_dma2 semaphore(%dma_wait3A_116 : memref<!tpu.dma_semaphore, #tpu.memory_space<semaphore_mem>>) src(%dma_wait3A_122 : memref<16x1024xf32, #tpu.memory_space<vmem>>) dst(%dma_wait3A_118 : memref<16x1024xf32, #tpu.memory_space<hbm>>)
    %dma_wait3A_123 = arith.constant 3 : i32
    %dma_wait3A_124 = arith.constant 3 : i32
    %dma_wait3A_125 = arith.constant 0 : i32
    %dma_wait3A_126 = arith.constant 0 : i32
    %dma_wait3A_127 = tpu.memref_slice %arg6[%dma_wait3A_123, %dma_wait3A_125, %dma_wait3A_126] : memref<5x16x1024xf32, #tpu.memory_space<vmem>> -> memref<1x16x1024xf32, #tpu.memory_space<vmem>>
    %dma_wait3A_128 = tpu.memref_squeeze %dma_wait3A_127 : memref<1x16x1024xf32, #tpu.memory_space<vmem>> -> memref<16x1024xf32, #tpu.memory_space<vmem>>
    %dma_wait3A_129 = arith.constant 0 : i32
    %dma_wait3A_130 = tpu.memref_slice %arg4[%mul3A_2, %dma_wait3A_129] : memref<51200x1024xf32, #tpu.memory_space<hbm>> -> memref<16x1024xf32, #tpu.memory_space<hbm>>
    %dma_wait3A_131 = tpu.memref_slice %arg8[%dma_wait3A_124] : memref<5x!tpu.dma_semaphore, #tpu.memory_space<semaphore_mem>> -> memref<1x!tpu.dma_semaphore, #tpu.memory_space<semaphore_mem>>
    %dma_wait3A_132 = tpu.memref_squeeze %dma_wait3A_131 : memref<1x!tpu.dma_semaphore, #tpu.memory_space<semaphore_mem>> -> memref<!tpu.dma_semaphore, #tpu.memory_space<semaphore_mem>>
    %dma_wait3A_133 = arith.constant 0 : i32
    %dma_wait3A_134 = tpu.memref_slice %arg4[%mul3A_2, %dma_wait3A_133] : memref<51200x1024xf32, #tpu.memory_space<hbm>> -> memref<16x1024xf32, #tpu.memory_space<hbm>>
    %dma_wait3A_135 = arith.constant 0 : i32
    %dma_wait3A_136 = arith.constant 0 : i32
    %dma_wait3A_137 = tpu.memref_slice %arg6[%dma_wait3A_123, %dma_wait3A_135, %dma_wait3A_136] : memref<5x16x1024xf32, #tpu.memory_space<vmem>> -> memref<1x16x1024xf32, #tpu.memory_space<vmem>>
    %dma_wait3A_138 = tpu.memref_squeeze %dma_wait3A_137 : memref<1x16x1024xf32, #tpu.memory_space<vmem>> -> memref<16x1024xf32, #tpu.memory_space<vmem>>
    tpu.wait_dma2 semaphore(%dma_wait3A_132 : memref<!tpu.dma_semaphore, #tpu.memory_space<semaphore_mem>>) src(%dma_wait3A_138 : memref<16x1024xf32, #tpu.memory_space<vmem>>) dst(%dma_wait3A_134 : memref<16x1024xf32, #tpu.memory_space<hbm>>)
    %dma_wait3A_139 = arith.constant 4 : i32
    %dma_wait3A_140 = arith.constant 4 : i32
    %dma_wait3A_141 = arith.constant 0 : i32
    %dma_wait3A_142 = arith.constant 0 : i32
    %dma_wait3A_143 = tpu.memref_slice %arg6[%dma_wait3A_139, %dma_wait3A_141, %dma_wait3A_142] : memref<5x16x1024xf32, #tpu.memory_space<vmem>> -> memref<1x16x1024xf32, #tpu.memory_space<vmem>>
    %dma_wait3A_144 = tpu.memref_squeeze %dma_wait3A_143 : memref<1x16x1024xf32, #tpu.memory_space<vmem>> -> memref<16x1024xf32, #tpu.memory_space<vmem>>
    %dma_wait3A_145 = arith.constant 0 : i32
    %dma_wait3A_146 = tpu.memref_slice %arg4[%mul3A_2, %dma_wait3A_145] : memref<51200x1024xf32, #tpu.memory_space<hbm>> -> memref<16x1024xf32, #tpu.memory_space<hbm>>
    %dma_wait3A_147 = tpu.memref_slice %arg8[%dma_wait3A_140] : memref<5x!tpu.dma_semaphore, #tpu.memory_space<semaphore_mem>> -> memref<1x!tpu.dma_semaphore, #tpu.memory_space<semaphore_mem>>
    %dma_wait3A_148 = tpu.memref_squeeze %dma_wait3A_147 : memref<1x!tpu.dma_semaphore, #tpu.memory_space<semaphore_mem>> -> memref<!tpu.dma_semaphore, #tpu.memory_space<semaphore_mem>>
    %dma_wait3A_149 = arith.constant 0 : i32
    %dma_wait3A_150 = tpu.memref_slice %arg4[%mul3A_2, %dma_wait3A_149] : memref<51200x1024xf32, #tpu.memory_space<hbm>> -> memref<16x1024xf32, #tpu.memory_space<hbm>>
    %dma_wait3A_151 = arith.constant 0 : i32
    %dma_wait3A_152 = arith.constant 0 : i32
    %dma_wait3A_153 = tpu.memref_slice %arg6[%dma_wait3A_139, %dma_wait3A_151, %dma_wait3A_152] : memref<5x16x1024xf32, #tpu.memory_space<vmem>> -> memref<1x16x1024xf32, #tpu.memory_space<vmem>>
    %dma_wait3A_154 = tpu.memref_squeeze %dma_wait3A_153 : memref<1x16x1024xf32, #tpu.memory_space<vmem>> -> memref<16x1024xf32, #tpu.memory_space<vmem>>
    tpu.wait_dma2 semaphore(%dma_wait3A_148 : memref<!tpu.dma_semaphore, #tpu.memory_space<semaphore_mem>>) src(%dma_wait3A_154 : memref<16x1024xf32, #tpu.memory_space<vmem>>) dst(%dma_wait3A_150 : memref<16x1024xf32, #tpu.memory_space<hbm>>)
    return
  }
}

</mosaic_0001>

<sc_bundles>
// kernel: _gather_call.3.cloned.1.call-start
scs
__scs_entry_jumppad:
0x0: {  	(pc) =	sbr.rel $0x88, $3  }
0x1: {  	(tag) =	ssettag $0x0;
	lr =	simm.s32 $0x1  }
0x2: {  	[smem:$0x3F9F] =	sst lr;
	_ =	strace $0xD0000000  }
0x3: {  	_ = 	snop  }
0x4: {  	_ = 	snop  }
0x5: {  	_ = 	snop  }
0x6: {  	_ = 	snop  }
0x7: {  	_ = 	snop  }
__scs_overlays_trampoline_lowered:
0x8: {  	[smem:$0x3FAE] =	sst s0  }
0x9: {  	[smem:$0x3FAF] =	sst s1  }
0xa: {  	[smem:$0x3FB0] =	sst s2  }
0xb: {  	[smem:$0x3FB1] =	sst s3  }
0xc: {  	[smem:$0x3FB2] =	sst s4  }
0xd: {  	[smem:$0x3FB3] =	sst s5  }
0xe: {  	[smem:$0x3FB4] =	sst s6  }
0xf: {  	[smem:$0x3FB5] =	sst s7  }
0x10: {  	[smem:$0x3FB6] =	sst s8  }
0x11: {  	[smem:$0x3FB7] =	sst s9;
	s0 =	simm.s32 @!p0 $0x0  }
0x12: {  	s1 =	sld [smem:$0x3F9D];
	s0 =	simm.s32 @p0 $0x1  }
0x13: {  	[smem:$0x3FB8] =	sst s0;
	s0 =	simm.s32 @!p1 $0x0  }
0x14: {  	s2 =	sld [smem:$0x3F9C];
	s0 =	simm.s32 @p1 $0x1  }
0x15: {  	[smem:$0x3FB9] =	sst s0;
	s0 =	simm.s32 @!p2 $0x0  }
0x16: {  	s3 =	sld [smem:$0x3FDB];
	s0 =	simm.s32 @p2 $0x1  }
0x17: {  	s4 =	simm.s32 $0x1BF5;
	[smem:$0x3FBB] =	sst s0  }
0x18: {  	s0 =	sld [smem:$0x3F9E];
	_ =	swait.ge [sflag:s4], $0x0  }
0x19: {  	s7 =	sld [smem:$0x3F9F]  }
0x1a: {  	s8 =	sadd.s32 $0xFFFFE003, lr  }
0x1b: {  	s9 =	sadd.s32 $0xFFFFFEF7, lr;
	s5 =	simm.s32 $0xFFFFFFFF;
	p2 =	slt.u32 s8, $0xFFFFF086  }
0x1c: {  	p1 =	slt.u32 s9, $0xF7A;
	s5 =	simm.s32 @!p2 $0x0  }
0x1d: {  	s5 =	simm.s32 @p1 $0x1;
	p0 =	seq.s32 s7, s2  }
0x1e: {  	s7 =	smul.u32 @!p0 $0xF7A, s2;
	p2 =	seq.s32 @!p0 s5, $0x0  }
0x1f: {  	s9 =	smul.u32 $0xF7A, s1;
	s8 =	simm.s32 @!p0 $0x1BF5;
	p2 =	por !p2, p0  }
0x20: {  	[sflag:s8] =	ssyncset.s32 @!p0 $0xFFFFF086;
	s6 =	sadd.s32 @!p0 s3, s7;
	s7 =	simm.s32 @!p0 $0x108  }
0x21: {  	s3 =	sadd.s32 s3, s9;
	s6 =	sadd.s32 @!p0 $0x88, s6;
	s7 =	simm.s32 @p2 $0x1082  }
0x22: {  	[simem:s7], [sflag:s8] =	dma.local @!p0 [hbm:s6], $0xF7A  }
0x23: {  	s9 =	sor.u32 $0xD0000000, s2;
	s6 =	simm.s32 $0x108;
	_ =	swait.ge @!p0 [sflag:s8], $0x0  }
0x24: {  	s3 =	sadd.s32 $0x88, s3;
	s6 =	simm.s32 @!p1 $0x1082;
	[sflag:s4] =	ssyncset.s32 $0xFFFFF086  }
0x25: {  	[simem:s6], [sflag:s4] =	dma.local [hbm:s3], $0xF7A  }
0x26: {  	[smem:$0x3F9F] =	sst s1;
	(tag) =	ssettag s2;
	_ =	strace s9  }
0x27: {  	s1 =	sld [smem:$0x3FAF]  }
0x28: {  	s2 =	sld [smem:$0x3FB0]  }
0x29: {  	s4 =	sld [smem:$0x3FB2]  }
0x2a: {  	p0 =	seq.s32 s5, $0x0;
	s5 =	sld [smem:$0x3FB3]  }
0x2b: {  	s6 =	sld [smem:$0x3FB4]  }
0x2c: {  	s7 =	sld [smem:$0x3FB5]  }
0x2d: {  	s3 =	simm.s32 $0x108;
	s8 =	sld [smem:$0x3FB6]  }
0x2e: {  	s3 =	simm.s32 @!p0 $0x1082;
	s9 =	sld [smem:$0x3FB7]  }
0x2f: {  	lr =	sadd.s32 s0, s3;
	s0 =	sld [smem:$0x3FAE]  }
0x30: {  	s3 =	sld [smem:$0x3FB1]  }
0x31: {  	[smem:$0x3FBA] =	sst s10  }
0x32: {  	s10 =	sld [smem:$0x3FB8];
	_ =	sdelay $0x3  }
0x33: {  	p0 =	seq.s32 s10, $0x1;
	s10 =	sld [smem:$0x3FBA];
	_ =	sdelay $0x3  }
0x34: {  	[smem:$0x3FBA] =	sst s10  }
0x35: {  	s10 =	sld [smem:$0x3FB9];
	_ =	sdelay $0x3  }
0x36: {  	p1 =	seq.s32 s10, $0x1;
	s10 =	sld [smem:$0x3FBA];
	_ =	sdelay $0x3  }
0x37: {  	[smem:$0x3FBA] =	sst s10  }
0x38: {  	s10 =	sld [smem:$0x3FBB]  }
0x39: {  	_ = 	snop;
	(pc) =	sbr.ind lr, $3  }
0x3a: {  	_ = 	snop  }
0x3b: {  	_ = 	snop  }
0x3c: {  	p2 =	seq.s32 s10, $0x1;
	s10 =	sld [smem:$0x3FBA]  }
0x3d: {  	_ =	shalt  }
0x3e: {  	_ =	shalt  }
0x3f: {  	_ =	shalt  }
0x40: {  	_ =	shalt  }
0x41: {  	_ =	shalt  }
0x42: {  	_ =	shalt  }
0x43: {  	_ =	shalt  }
0x44: {  	_ =	shalt  }
0x45: {  	_ =	shalt  }
0x46: {  	_ =	shalt  }
0x47: {  	_ =	shalt  }
0x48: {  	_ =	shalt  }
0x49: {  	_ =	shalt  }
0x4a: {  	_ =	shalt  }
0x4b: {  	_ =	shalt  }
0x4c: {  	_ =	shalt  }
0x4d: {  	_ =	shalt  }
0x4e: {  	_ =	shalt  }
0x4f: {  	_ =	shalt  }
0x50: {  	_ =	shalt  }
0x51: {  	_ =	shalt  }
0x52: {  	_ =	shalt  }
0x53: {  	_ =	shalt  }
0x54: {  	_ =	shalt  }
0x55: {  	_ =	shalt  }
0x56: {  	_ =	shalt  }
0x57: {  	_ =	shalt  }
0x58: {  	_ =	shalt  }
0x59: {  	_ =	shalt  }
0x5a: {  	_ =	shalt  }
0x5b: {  	_ =	shalt  }
0x5c: {  	_ =	shalt  }
0x5d: {  	_ =	shalt  }
0x5e: {  	_ =	shalt  }
0x5f: {  	_ =	shalt  }
0x60: {  	_ =	shalt  }
0x61: {  	_ =	shalt  }
0x62: {  	_ =	shalt  }
0x63: {  	_ =	shalt  }
0x64: {  	_ =	shalt  }
0x65: {  	_ =	shalt  }
0x66: {  	_ =	shalt  }
0x67: {  	_ =	shalt  }
0x68: {  	_ =	shalt  }
0x69: {  	_ =	shalt  }
0x6a: {  	_ =	shalt  }
0x6b: {  	_ =	shalt  }
0x6c: {  	_ =	shalt  }
0x6d: {  	_ =	shalt  }
0x6e: {  	_ =	shalt  }
0x6f: {  	_ =	shalt  }
0x70: {  	_ =	shalt  }
0x71: {  	_ =	shalt  }
0x72: {  	_ =	shalt  }
0x73: {  	_ =	shalt  }
0x74: {  	_ =	shalt  }
0x75: {  	_ =	shalt  }
0x76: {  	_ =	shalt  }
0x77: {  	_ =	shalt  }
0x78: {  	_ =	shalt  }
0x79: {  	_ =	shalt  }
0x7a: {  	_ =	shalt  }
0x7b: {  	_ =	shalt  }
0x7c: {  	_ =	shalt  }
0x7d: {  	_ =	shalt  }
0x7e: {  	_ =	shalt  }
0x7f: {  	_ =	shalt  }
0x80: {  	_ =	shalt  }
0x81: {  	_ =	shalt  }
0x82: {  	_ =	shalt  }
0x83: {  	_ =	shalt  }
0x84: {  	_ =	shalt  }
0x85: {  	_ =	shalt  }
0x86: {  	_ =	shalt  }
0x87: {  	_ =	shalt  }
.Lfunc_end0:
.L_simem_size_0:
called_computation_lowered:
.L_overlay_start_0:
0x88: {  	s2 =	sld [smem:$0x3FD9]  }
0x89: {  	s3 =	sld [smem:$0x3FFE];
	_ =	sdelay $0x1  }
0x8a: {  	s1 =	srdreg.scid  }
0x8b: {  	s0 =	sand.u32 $0x1, s1  }
0x8c: {  	s18 =	sshll.u32 s0, $0xA;
	s2 =	sadd.s32 s3, s2  }
0x8d: {  	s2 =	sadd.s32 s2, s18  }
0x8e: {  	[smem:$0x3FC6] =	sst s2  }
0x8f: {  	_ = 	snop  }
0x90: {  	s2 =	sld [smem:$0x3FC9]  }
0x91: {  	s19 =	sld [smem:$0x3FC8]  }
0x92: {  	s4 =	sld [smem:$0x3FD0];
	(tm) =	ssettm $0x1  }
0x93: {  	s5 =	sld [smem:$0x3FFB];
	_ =	sdelay $0x3  }
0x94: {  	_ =	strace s5  }
0x95: {  	s5 =	sld [smem:$0x3FFC];
	_ =	sdelay $0x3  }
0x96: {  	_ =	strace s5  }
0x97: {  	s5 =	sld [smem:$0x3FFD];
	_ =	sdelay $0x3  }
0x98: {  	_ =	strace s5  }
0x99: {  	_ =	strace $0x8FFFFFFF  }
0x9a: {  	s20 =	sld [smem:$0x3FDB];
	_ =	sdelay $0x1  }
0x9b: {  	s6 =	simm.s32 $_scs_section_size  }
0x9c: {  	s7 =	simm.s32 $_size__tile_overlayer_lowered;
	s8 =	simm.s32 $_tile_overlayer_lowered  }
0x9d: {  	s23 =	simm.s32 $0x1BFF;
	s22 =	sshll.u32 s8, $0x1;
	s5 =	sadd.s32 s6, s20  }
0x9e: {  	s9 =	simm.s32 $0x0;
	s21 =	sshll.u32 s7, $0x1;
	s7 =	sadd.s32 s22, s5  }
0x9f: {  	[timem:s9], [sflag:s23] =	dma.local [hbm:s7], s21  }
0xa0: {  	_ =	swait.ge [sflag:s23], s21  }
0xa1: {  	s6 =	ssub.s32 $0x0, s21;
	[sflag:s23] =	ssyncset.done $0x0  }
0xa2: {  	[sflag:s23] =	ssyncadd.s32 s6;
	_ =	sdelay $0x1  }
0xa3: {  	s24 =	simm.s32 $0x1B8B  }
0xa4: {  	_ =	swait.ge [sflag:s24], $0x1  }
0xa5: {  	[sflag:s24] =	ssyncset.done $0x0  }
0xa6: {  	s25 =	simm.s32 $0x1B8E;
	[sflag:s24] =	ssyncadd.s32 $0xFFFFFFFF  }
0xa7: {  	s26 =	simm.s32 $execute0_lowered;
	[smem:$0x3FD2] =	sst s25  }
0xa8: {  	s6 =	sshll.u32 s26, $0x1;
	_ =	strace $0x80000046;
	[dreg:$0x1] =	wrdreg $0xFFFFFFFF  }
0xa9: {  	s28 =	simm.s32 $_size_execute0_lowered;
	s5 =	sadd.s32 s5, s6;
	[dreg:$0x0] =	wrdreg $0x0  }
0xaa: {  	s6 =	sshll.u32 s28, $0x1;
	[dreg:$0x2] =	wrdreg s5  }
0xab: {  	[dreg:$0x3] =	wrdreg s6  }
0xac: {  	[dreg:$0x4] =	wrdreg $0xC0  }
0xad: {  	_ =	task [dreg:s9], $0x5FFFF  }
0xae: {  	[dreg:$0x1] =	wrdreg $0xFFFFFFFF  }
0xaf: {  	[dreg:$0x0] =	wrdreg $0x60  }
0xb0: {  	[dreg:$0x2] =	wrdreg s2  }
0xb1: {  	[dreg:$0x3] =	wrdreg s19  }
0xb2: {  	[dreg:$0x4] =	wrdreg s4  }
0xb3: {  	[dreg:$0x5] =	wrdreg $0x9  }
0xb4: {  	_ =	task.clear_ibuf [dreg:s9], $0x6FFFF;
	_ =	strace $0x90000046  }
0xb5: {  	s29 =	simm.s32 $0x9;
	_ =	strace $0x80000048  }
0xb6: {  	_ =	swait.ge [sflag:s29], $0x1  }
0xb7: {  	[sflag:s29] =	ssyncadd.s32 $0xFFFFFFFF  }
0xb8: {  	_ =	strace $0x90000048  }
0xb9: {  	_ =	sfence  }
0xba: {  	s30 =	sld [smem:$0x0];
	_ =	sdelay $0x2  }
0xbb: {  	s31 =	sshll.u32 s1, $0xD;
	s1 =	sshrl.u32 s1, $0x2  }
0xbc: {  	s3 =	sand.u32 $0x4000, s31;
	s1 =	sadd.s32 s1, s30  }
0xbd: {  	s0 =	sor.u32 s3, s0;
	s1 =	sshll.u32 s1, $0x11  }
0xbe: {  	s0 =	sor.u32 s1, s0  }
0xbf: {  	s0 =	sadd.s32 $0x8F2B, s0  }
0xc0: {  	[sflag:s0] =	ssyncadd.remote.s32 $0x1  }
0xc1: {  	_ =	sfence.sel $0xFFFF  }
0xc2: {  	[dreg:$0x0] =	wrdreg $0xFFFFFFFF;
	(pc) =	sbr.abs _section_cstart, $3  }
0xc3: {  	[dreg:$0x1] =	wrdreg $0xFFFFFFFF  }
0xc4: {  	_ =	task.clear_ibuf [dreg:s9], $0x2FFFF;
	_ =	strace $0x9FFFFFFF  }
0xc5: {  	(tm) =	ssettm $0x7FFFFFFF  }
tec
execute0_lowered:
.L_overlay_start_1:
0x0: {  	(tag) =	ssettag $0x1  }
0x1: {  	s0 =	rddreg [dreg:$0x0]  }
0x2: {  	s2 =	rddreg [dreg:$0x1]  }
0x3: {  	s1 =	rddreg [dreg:$0x2]  }
0x4: {  	s3 =	srdreg.scid;
	s8 =	stileid.u32  }
0x5: {  	s13 =	simm.s32 $0x680;
	s21 =	simm.s32 $0x4680;
	s30 =	simm.s32 $0x8680  }
0x6: {  	s12 =	simm.s32 $0xC680;
	s22 =	simm.s32 $0x10680;
	s28 =	simm.s32 $0x12E80  }
0x7: {  	s29 =	simm.s32 $0x13680;
	s31 =	simm.s32 $0x13E80;
	s10 =	simm.s32 $0x3  }
0x8: {  	s11 =	simm.s32 $0x4;
	s14 =	simm.s32 $0x7;
	s15 =	simm.s32 $0x8  }
0x9: {  	s16 =	simm.s32 $0x9;
	s17 =	simm.s32 $0xA;
	s19 =	simm.s32 $0x0  }
0xa: {  	s4 =	sand.u32 $0x1, s3;
	s5 =	sshrl.u32 s8, $0x2;
	s6 =	sshll.u32 s8, $0x8  }
0xb: {  	s3 =	simm.s32 $0x0;
	s8 =	smul.u32 $0x64000, s8;
	s7 =	sshll.u32 s4, $0x7  }
0xc: {  	s5 =	smul.u32 $0x3400, s5;
	[smem:$0x7FF] =	sst s3;
	s23 =	ssub.s32 $0x2, s4  }
0xd: {  	s25 =	smul.u32 $0x32000, s4;
	s4 =	simm.s32 $0x5;
	s6 =	sor.u32 s7, s6  }
0xe: {  	_ =	strace $0x80000047;
	s24 =	sshrl.u32 s23, $0x1;
	s1 =	sadd.s32 s8, s1  }
0xf: {  	s7 =	sadd.s32 $0x300, s2;
	s8 =	simm.s32 $0x6;
	s6 =	sand.u32 $0x380, s6  }
.Ltmp0:
0x10: {  	s9 =	ssub.s32 s23, s24;
	s5 =	sor.u32 s5, s6;
	(pc) =	sbr.rel .LBB2_1-.Ltmp0, $4  }
0x11: {  	s6 =	sadd.s32 $0x200, s2;
	s26 =	smax.u32 s9, $0x1;
	s9 =	sadd.s32 s25, s1  }
0x12: {  	v2 =	vlaneseq.u32;
	s25 =	simm.s32 $0x11E80;
	s1 =	simm.s32 $0x2;
	s5 =	sshrl.u32 s5, $0x3  }
0x13: {  	vm0 =	vmmov $0xffff;
	v1 =	vshrl.u32 v2, $0x3;
	[dreg:$0x5] =	wrdreg s26;
	s26 =	simm.s32 $0x12680;
	s0 =	sadd.s32 s0, s5  }
0x14: {  	v0 =	vand.u32 $0x7, v2;
	v2 =	vor.u32 $0x8, v2;
	v1 =	vmul.u32 $0x8, v1;
	s5 =	sadd.s32 $0x100, s2;
	[dreg:$0x4] =	wrdreg s0;
	s0 =	simm.s32 $0x1  }
.LBB2_4:
0x15: {  	_ =	swait.ge [sflag:s14], $0x4000  }
0x16: {  	[sflag:s14] =	ssyncset.done $0x0  }
0x17: {  	[sflag:s14] =	ssyncadd.s32 $0xFFFFC000  }
0x18: {  	_ =	swait.ge [sflag:s15], $0x4000  }
0x19: {  	[sflag:s15] =	ssyncset.done $0x0  }
0x1a: {  	[sflag:s15] =	ssyncadd.s32 $0xFFFFC000  }
0x1b: {  	_ =	swait.ge [sflag:s16], $0x4000  }
0x1c: {  	[sflag:s16] =	ssyncset.done $0x0  }
0x1d: {  	[sflag:s16] =	ssyncadd.s32 $0xFFFFC000  }
0x1e: {  	_ =	swait.ge [sflag:s17], $0x4000  }
0x1f: {  	s19 =	rddreg [dreg:$0x6]  }
0x20: {  	s18 =	rddreg [dreg:$0x5];
	s19 =	sadd.s32 $0x1, s19  }
0x21: {  	p0 =	sne.s32 s19, s18  }
.Ltmp1:
0x22: {  	_ = 	snop;
	(pc) =	sbr.rel @!p0 .LBB2_5-.Ltmp1, $3  }
0x23: {  	_ =	sdelay $0x1  }
0x24: {  	[sflag:s17] =	ssyncset.done $0x0  }
0x25: {  	[sflag:s17] =	ssyncadd.s32 $0xFFFFC000  }
.LBB2_1:
0x26: {  	s18 =	rddreg [dreg:$0x4];
	s24 =	simm.s32 $0x80;
	s20 =	simm.s32 $0x400  }
0x27: {  	[tilespmem:s3], [sflag:$0xB] =	stream.strided.gather [hbm4b:s18+s24], $0x680, s20, s24, $0x38;
	[tilespmem:$0x14680] =	vst v63  }
0x28: {  	[dreg:$0x6] =	wrdreg s19;
	s20 =	simm.s32 $0xB  }
0x29: {  	_ =	swait.ge [sflag:s20], $0x680  }
0x2a: {  	[sflag:s20] =	ssyncset.done $0x0  }
0x2b: {  	[sflag:s20] =	ssyncadd.s32 $0xFFFFF980  }
0x2c: {  	v3 =	vld [tilespmem:$0x0];
	_ =	sdelay $0x4  }
0x2d: {  	v4 =	vshll.u32 v3, $0x3  }
0x2e: {  	v3 =	vand.u32 $0x7, v3;
	v4 =	vand.u32 $0xFFFFFFC0, v4  }
0x2f: {  	v3 =	vor.u32 v3, v4  }
0x30: {  	v4 =	vperm.xlane v3, v0;
	_ =	sdelay $0x1  }
0x31: {  	v4 =	vadd.s32 v1, v4;
	_ =	sdelay $0x4  }
0x32: {  	[tilespmem:s13], [sflag:$0x1] =	stream.indirect_vreg.gather [hbm4b:s2+s3], $0x80, v4, vm0, $0xb8;
	[tilespmem:$0x14680] =	vst v63  }
0x33: {  	s23 =	simm.s32 $0xE80;
	v3 =	vperm.xlane v3, v2  }
0x34: {  	[tilespmem:s23], [sflag:$0x1] =	stream.indirect_vreg.gather [hbm4b:s5+s3], $0x80, v4, vm0, $0xb8;
	[tilespmem:$0x14680] =	vst v63  }
0x35: {  	s24 =	simm.s32 $0x1680;
	v3 =	vadd.s32 v1, v3  }
0x36: {  	[tilespmem:s24], [sflag:$0x1] =	stream.indirect_vreg.gather [hbm4b:s6+s3], $0x80, v4, vm0, $0xb8;
	[tilespmem:$0x14680] =	vst v63  }
0x37: {  	s19 =	simm.s32 $0x1E80  }
0x38: {  	[tilespmem:s19], [sflag:$0x1] =	stream.indirect_vreg.gather [hbm4b:s7+s3], $0x80, v4, vm0, $0xb8;
	[tilespmem:$0x14680] =	vst v63  }
0x39: {  	s20 =	simm.s32 $0x2680  }
0x3a: {  	[tilespmem:s20], [sflag:$0x1] =	stream.indirect_vreg.gather [hbm4b:s2+s3], $0x80, v3, vm0, $0xb8;
	[tilespmem:$0x14680] =	vst v63  }
0x3b: {  	s23 =	simm.s32 $0x2E80  }
0x3c: {  	[tilespmem:s23], [sflag:$0x1] =	stream.indirect_vreg.gather [hbm4b:s5+s3], $0x80, v3, vm0, $0xb8;
	[tilespmem:$0x14680] =	vst v63  }
0x3d: {  	s24 =	simm.s32 $0x3680  }
0x3e: {  	[tilespmem:s24], [sflag:$0x1] =	stream.indirect_vreg.gather [hbm4b:s6+s3], $0x80, v3, vm0, $0xb8;
	[tilespmem:$0x14680] =	vst v63  }
0x3f: {  	s19 =	simm.s32 $0x3E80  }
0x40: {  	[tilespmem:s19], [sflag:$0x1] =	stream.indirect_vreg.gather [hbm4b:s7+s3], $0x80, v3, vm0, $0xb8;
	[tilespmem:$0x14680] =	vst v63  }
0x41: {  	v3 =	vld [tilespmem:$0x10];
	_ =	sdelay $0x4  }
0x42: {  	v60 =	vshll.u32 v3, $0x3  }
0x43: {  	v3 =	vand.u32 $0x7, v3;
	v4 =	vand.u32 $0xFFFFFFC0, v60  }
0x44: {  	v3 =	vor.u32 v3, v4  }
0x45: {  	v4 =	vperm.xlane v3, v0;
	_ =	sdelay $0x1  }
0x46: {  	v4 =	vadd.s32 v1, v4;
	_ =	sdelay $0x4  }
0x47: {  	[tilespmem:s21], [sflag:$0x2] =	stream.indirect_vreg.gather [hbm4b:s2+s3], $0x80, v4, vm0, $0xb8;
	[tilespmem:$0x14680] =	vst v63  }
0x48: {  	s20 =	simm.s32 $0x4E80;
	v3 =	vperm.xlane v3, v2  }
0x49: {  	[tilespmem:s20], [sflag:$0x2] =	stream.indirect_vreg.gather [hbm4b:s5+s3], $0x80, v4, vm0, $0xb8;
	[tilespmem:$0x14680] =	vst v63  }
0x4a: {  	s23 =	simm.s32 $0x5680;
	v3 =	vadd.s32 v1, v3  }
0x4b: {  	[tilespmem:s23], [sflag:$0x2] =	stream.indirect_vreg.gather [hbm4b:s6+s3], $0x80, v4, vm0, $0xb8;
	[tilespmem:$0x14680] =	vst v63  }
0x4c: {  	s24 =	simm.s32 $0x5E80  }
0x4d: {  	[tilespmem:s24], [sflag:$0x2] =	stream.indirect_vreg.gather [hbm4b:s7+s3], $0x80, v4, vm0, $0xb8;
	[tilespmem:$0x14680] =	vst v63  }
0x4e: {  	s19 =	simm.s32 $0x6680  }
0x4f: {  	[tilespmem:s19], [sflag:$0x2] =	stream.indirect_vreg.gather [hbm4b:s2+s3], $0x80, v3, vm0, $0xb8;
	[tilespmem:$0x14680] =	vst v63  }
0x50: {  	s20 =	simm.s32 $0x6E80  }
0x51: {  	[tilespmem:s20], [sflag:$0x2] =	stream.indirect_vreg.gather [hbm4b:s5+s3], $0x80, v3, vm0, $0xb8;
	[tilespmem:$0x14680] =	vst v63  }
0x52: {  	s23 =	simm.s32 $0x7680  }
0x53: {  	[tilespmem:s23], [sflag:$0x2] =	stream.indirect_vreg.gather [hbm4b:s6+s3], $0x80, v3, vm0, $0xb8;
	[tilespmem:$0x14680] =	vst v63  }
0x54: {  	s24 =	simm.s32 $0x7E80  }
0x55: {  	[tilespmem:s24], [sflag:$0x2] =	stream.indirect_vreg.gather [hbm4b:s7+s3], $0x80, v3, vm0, $0xb8;
	[tilespmem:$0x14680] =	vst v63  }
0x56: {  	v3 =	vld [tilespmem:$0x20];
	_ =	sdelay $0x4  }
0x57: {  	v61 =	vshll.u32 v3, $0x3  }
0x58: {  	v3 =	vand.u32 $0x7, v3;
	v4 =	vand.u32 $0xFFFFFFC0, v61  }
0x59: {  	v3 =	vor.u32 v3, v4  }
0x5a: {  	v4 =	vperm.xlane v3, v0;
	_ =	sdelay $0x1  }
0x5b: {  	v4 =	vadd.s32 v1, v4;
	_ =	sdelay $0x4  }
0x5c: {  	[tilespmem:s30], [sflag:$0x3] =	stream.indirect_vreg.gather [hbm4b:s2+s3], $0x80, v4, vm0, $0xb8;
	[tilespmem:$0x14680] =	vst v63  }
0x5d: {  	s19 =	simm.s32 $0x8E80;
	v3 =	vperm.xlane v3, v2  }
0x5e: {  	[tilespmem:s19], [sflag:$0x3] =	stream.indirect_vreg.gather [hbm4b:s5+s3], $0x80, v4, vm0, $0xb8;
	[tilespmem:$0x14680] =	vst v63  }
0x5f: {  	s20 =	simm.s32 $0x9680;
	v3 =	vadd.s32 v1, v3  }
0x60: {  	[tilespmem:s20], [sflag:$0x3] =	stream.indirect_vreg.gather [hbm4b:s6+s3], $0x80, v4, vm0, $0xb8;
	[tilespmem:$0x14680] =	vst v63  }
0x61: {  	s23 =	simm.s32 $0x9E80  }
0x62: {  	[tilespmem:s23], [sflag:$0x3] =	stream.indirect_vreg.gather [hbm4b:s7+s3], $0x80, v4, vm0, $0xb8;
	[tilespmem:$0x14680] =	vst v63  }
0x63: {  	s24 =	simm.s32 $0xA680  }
0x64: {  	[tilespmem:s24], [sflag:$0x3] =	stream.indirect_vreg.gather [hbm4b:s2+s3], $0x80, v3, vm0, $0xb8;
	[tilespmem:$0x14680] =	vst v63  }
0x65: {  	s19 =	simm.s32 $0xAE80  }
0x66: {  	[tilespmem:s19], [sflag:$0x3] =	stream.indirect_vreg.gather [hbm4b:s5+s3], $0x80, v3, vm0, $0xb8;
	[tilespmem:$0x14680] =	vst v63  }
0x67: {  	s20 =	simm.s32 $0xB680  }
0x68: {  	[tilespmem:s20], [sflag:$0x3] =	stream.indirect_vreg.gather [hbm4b:s6+s3], $0x80, v3, vm0, $0xb8;
	[tilespmem:$0x14680] =	vst v63  }
0x69: {  	s23 =	simm.s32 $0xBE80  }
0x6a: {  	[tilespmem:s23], [sflag:$0x3] =	stream.indirect_vreg.gather [hbm4b:s7+s3], $0x80, v3, vm0, $0xb8;
	[tilespmem:$0x14680] =	vst v63  }
0x6b: {  	v3 =	vld [tilespmem:$0x30];
	_ =	sdelay $0x4  }
0x6c: {  	v62 =	vshll.u32 v3, $0x3  }
0x6d: {  	v3 =	vand.u32 $0x7, v3;
	v4 =	vand.u32 $0xFFFFFFC0, v62  }
0x6e: {  	v3 =	vor.u32 v3, v4  }
0x6f: {  	v4 =	vperm.xlane v3, v0;
	_ =	sdelay $0x1  }
0x70: {  	v4 =	vadd.s32 v1, v4;
	_ =	sdelay $0x4  }
0x71: {  	[tilespmem:s12], [sflag:$0x4] =	stream.indirect_vreg.gather [hbm4b:s2+s3], $0x80, v4, vm0, $0xb8;
	[tilespmem:$0x14680] =	vst v63  }
0x72: {  	s24 =	simm.s32 $0xCE80;
	v3 =	vperm.xlane v3, v2  }
0x73: {  	[tilespmem:s24], [sflag:$0x4] =	stream.indirect_vreg.gather [hbm4b:s5+s3], $0x80, v4, vm0, $0xb8;
	[tilespmem:$0x14680] =	vst v63  }
0x74: {  	s19 =	simm.s32 $0xD680;
	v3 =	vadd.s32 v1, v3  }
0x75: {  	[tilespmem:s19], [sflag:$0x4] =	stream.indirect_vreg.gather [hbm4b:s6+s3], $0x80, v4, vm0, $0xb8;
	[tilespmem:$0x14680] =	vst v63  }
0x76: {  	s20 =	simm.s32 $0xDE80  }
0x77: {  	[tilespmem:s20], [sflag:$0x4] =	stream.indirect_vreg.gather [hbm4b:s7+s3], $0x80, v4, vm0, $0xb8;
	[tilespmem:$0x14680] =	vst v63  }
0x78: {  	s23 =	simm.s32 $0xE680  }
0x79: {  	[tilespmem:s23], [sflag:$0x4] =	stream.indirect_vreg.gather [hbm4b:s2+s3], $0x80, v3, vm0, $0xb8;
	[tilespmem:$0x14680] =	vst v63  }
0x7a: {  	s24 =	simm.s32 $0xEE80  }
0x7b: {  	[tilespmem:s24], [sflag:$0x4] =	stream.indirect_vreg.gather [hbm4b:s5+s3], $0x80, v3, vm0, $0xb8;
	[tilespmem:$0x14680] =	vst v63  }
0x7c: {  	s19 =	simm.s32 $0xF680  }
0x7d: {  	[tilespmem:s19], [sflag:$0x4] =	stream.indirect_vreg.gather [hbm4b:s6+s3], $0x80, v3, vm0, $0xb8;
	[tilespmem:$0x14680] =	vst v63  }
0x7e: {  	s20 =	simm.s32 $0xFE80  }
0x7f: {  	[tilespmem:s20], [sflag:$0x4] =	stream.indirect_vreg.gather [hbm4b:s7+s3], $0x80, v3, vm0, $0xb8;
	[tilespmem:$0x14680] =	vst v63  }
0x80: {  	v3 =	vld [tilespmem:$0x40];
	_ =	sdelay $0x4  }
0x81: {  	v63 =	vshll.u32 v3, $0x3  }
0x82: {  	v3 =	vand.u32 $0x7, v3;
	v4 =	vand.u32 $0xFFFFFFC0, v63  }
0x83: {  	v3 =	vor.u32 v3, v4  }
0x84: {  	v4 =	vperm.xlane v3, v0;
	_ =	sdelay $0x1  }
0x85: {  	v4 =	vadd.s32 v1, v4;
	_ =	sdelay $0x4  }
0x86: {  	[tilespmem:s22], [sflag:$0x5] =	stream.indirect_vreg.gather [hbm4b:s2+s3], $0x80, v4, vm0, $0xb8;
	[tilespmem:$0x14680] =	vst v63  }
0x87: {  	s23 =	simm.s32 $0x10E80;
	v3 =	vperm.xlane v3, v2  }
0x88: {  	[tilespmem:s23], [sflag:$0x5] =	stream.indirect_vreg.gather [hbm4b:s5+s3], $0x80, v4, vm0, $0xb8;
	[tilespmem:$0x14680] =	vst v63  }
0x89: {  	s24 =	simm.s32 $0x11680;
	v3 =	vadd.s32 v1, v3  }
0x8a: {  	[tilespmem:s24], [sflag:$0x5] =	stream.indirect_vreg.gather [hbm4b:s6+s3], $0x80, v4, vm0, $0xb8;
	[tilespmem:$0x14680] =	vst v63  }
0x8b: {  	_ = 	snop  }
0x8c: {  	[tilespmem:s25], [sflag:$0x5] =	stream.indirect_vreg.gather [hbm4b:s7+s3], $0x80, v4, vm0, $0xb8;
	[tilespmem:$0x14680] =	vst v63  }
0x8d: {  	_ = 	snop  }
0x8e: {  	[tilespmem:s26], [sflag:$0x5] =	stream.indirect_vreg.gather [hbm4b:s2+s3], $0x80, v3, vm0, $0xb8;
	[tilespmem:$0x14680] =	vst v63  }
0x8f: {  	_ = 	snop  }
0x90: {  	[tilespmem:s28], [sflag:$0x5] =	stream.indirect_vreg.gather [hbm4b:s5+s3], $0x80, v3, vm0, $0xb8;
	[tilespmem:$0x14680] =	vst v63  }
0x91: {  	_ = 	snop  }
0x92: {  	[tilespmem:s29], [sflag:$0x5] =	stream.indirect_vreg.gather [hbm4b:s6+s3], $0x80, v3, vm0, $0xb8;
	[tilespmem:$0x14680] =	vst v63  }
0x93: {  	s18 =	simm.s32 $0x90;
	s19 =	simm.s32 $0x0;
	s20 =	simm.s32 $0x0  }
0x94: {  	[tilespmem:s31], [sflag:$0x5] =	stream.indirect_vreg.gather [hbm4b:s7+s3], $0x80, v3, vm0, $0xb8;
	[tilespmem:$0x14680] =	vst v63  }
.LBB2_2:
0x95: {  	_ =	swait.ge [sflag:s0], $0x4000  }
0x96: {  	[sflag:s0] =	ssyncset.done $0x0  }
0x97: {  	s23 =	sadd.s32 s20, s9;
	[sflag:s0] =	ssyncadd.s32 $0xFFFFC000  }
0x98: {  	[hbm4b:s23+s3] =	stream.linear.scatter [tilespmem:s13], [sflag:$0x6], $0x4000, $0x38;
	[tilespmem:$0x14680] =	vst v63  }
0x99: {  	_ =	swait.ge [sflag:s1], $0x4000  }
0x9a: {  	[sflag:s1] =	ssyncset.done $0x0  }
0x9b: {  	s24 =	sadd.s32 $0x800, s23;
	[sflag:s1] =	ssyncadd.s32 $0xFFFFC000  }
0x9c: {  	[hbm4b:s24+s3] =	stream.linear.scatter [tilespmem:s21], [sflag:$0x7], $0x4000, $0x38;
	[tilespmem:$0x14680] =	vst v63  }
0x9d: {  	_ =	swait.ge [sflag:s10], $0x4000  }
0x9e: {  	[sflag:s10] =	ssyncset.done $0x0  }
0x9f: {  	s24 =	sadd.s32 $0x1000, s23;
	[sflag:s10] =	ssyncadd.s32 $0xFFFFC000  }
0xa0: {  	[hbm4b:s24+s3] =	stream.linear.scatter [tilespmem:s30], [sflag:$0x8], $0x4000, $0x38;
	[tilespmem:$0x14680] =	vst v63  }
0xa1: {  	_ =	swait.ge [sflag:s11], $0x4000  }
0xa2: {  	[sflag:s11] =	ssyncset.done $0x0  }
0xa3: {  	s24 =	sadd.s32 $0x1800, s23;
	[sflag:s11] =	ssyncadd.s32 $0xFFFFC000  }
0xa4: {  	[hbm4b:s24+s3] =	stream.linear.scatter [tilespmem:s12], [sflag:$0x9], $0x4000, $0x38;
	[tilespmem:$0x14680] =	vst v63  }
0xa5: {  	_ =	swait.ge [sflag:s4], $0x4000  }
0xa6: {  	p0 =	seq.s32 s20, $0x2F800;
	[sflag:s4] =	ssyncset.done $0x0  }
.Ltmp2:
0xa7: {  	s23 =	sadd.s32 $0x2000, s23;
	[sflag:s4] =	ssyncadd.s32 $0xFFFFC000;
	(pc) =	sbr.rel @p0 .LBB2_4-.Ltmp2, $4  }
0xa8: {  	[hbm4b:s23+s3] =	stream.linear.scatter [tilespmem:s22], [sflag:$0xA], $0x4000, $0x38;
	[tilespmem:$0x14680] =	vst v63  }
0xa9: {  	_ =	swait.ge [sflag:s8], $0x4000  }
0xaa: {  	[sflag:s8] =	ssyncset.done $0x0  }
0xab: {  	[sflag:s8] =	ssyncadd.s32 $0xFFFFC000  }
0xac: {  	v3 =	vld [tilespmem:s18+$0xFFFFFFC0];
	_ =	sdelay $0x4  }
0xad: {  	v4 =	vshll.u32 v3, $0x3  }
0xae: {  	v3 =	vand.u32 $0x7, v3;
	v4 =	vand.u32 $0xFFFFFFC0, v4  }
0xaf: {  	v3 =	vor.u32 v3, v4  }
0xb0: {  	v4 =	vperm.xlane v3, v0;
	_ =	sdelay $0x1  }
0xb1: {  	v4 =	vadd.s32 v1, v4;
	_ =	sdelay $0x4  }
0xb2: {  	[tilespmem:s13], [sflag:$0x1] =	stream.indirect_vreg.gather [hbm4b:s2+s3], $0x80, v4, vm0, $0xb8;
	[tilespmem:$0x14680] =	vst v63  }
0xb3: {  	s23 =	simm.s32 $0xE80;
	v3 =	vperm.xlane v3, v2  }
0xb4: {  	[tilespmem:s23], [sflag:$0x1] =	stream.indirect_vreg.gather [hbm4b:s5+s3], $0x80, v4, vm0, $0xb8;
	[tilespmem:$0x14680] =	vst v63  }
0xb5: {  	s24 =	simm.s32 $0x1680;
	v3 =	vadd.s32 v1, v3  }
0xb6: {  	[tilespmem:s24], [sflag:$0x1] =	stream.indirect_vreg.gather [hbm4b:s6+s3], $0x80, v4, vm0, $0xb8;
	[tilespmem:$0x14680] =	vst v63  }
0xb7: {  	s24 =	simm.s32 $0x1E80  }
0xb8: {  	[tilespmem:s24], [sflag:$0x1] =	stream.indirect_vreg.gather [hbm4b:s7+s3], $0x80, v4, vm0, $0xb8;
	[tilespmem:$0x14680] =	vst v63  }
0xb9: {  	s24 =	simm.s32 $0x2680  }
0xba: {  	[tilespmem:s24], [sflag:$0x1] =	stream.indirect_vreg.gather [hbm4b:s2+s3], $0x80, v3, vm0, $0xb8;
	[tilespmem:$0x14680] =	vst v63  }
0xbb: {  	s24 =	simm.s32 $0x2E80  }
0xbc: {  	[tilespmem:s24], [sflag:$0x1] =	stream.indirect_vreg.gather [hbm4b:s5+s3], $0x80, v3, vm0, $0xb8;
	[tilespmem:$0x14680] =	vst v63  }
0xbd: {  	s24 =	simm.s32 $0x3680  }
0xbe: {  	[tilespmem:s24], [sflag:$0x1] =	stream.indirect_vreg.gather [hbm4b:s6+s3], $0x80, v3, vm0, $0xb8;
	[tilespmem:$0x14680] =	vst v63  }
0xbf: {  	s24 =	simm.s32 $0x3E80  }
0xc0: {  	[tilespmem:s24], [sflag:$0x1] =	stream.indirect_vreg.gather [hbm4b:s7+s3], $0x80, v3, vm0, $0xb8;
	[tilespmem:$0x14680] =	vst v63  }
0xc1: {  	_ =	swait.ge [sflag:s14], $0x4000  }
0xc2: {  	[sflag:s14] =	ssyncset.done $0x0  }
0xc3: {  	[sflag:s14] =	ssyncadd.s32 $0xFFFFC000  }
0xc4: {  	v3 =	vld [tilespmem:s18+$0xFFFFFFD0];
	_ =	sdelay $0x4  }
0xc5: {  	v60 =	vshll.u32 v3, $0x3  }
0xc6: {  	v3 =	vand.u32 $0x7, v3;
	v4 =	vand.u32 $0xFFFFFFC0, v60  }
0xc7: {  	v3 =	vor.u32 v3, v4  }
0xc8: {  	v4 =	vperm.xlane v3, v0;
	_ =	sdelay $0x1  }
0xc9: {  	v4 =	vadd.s32 v1, v4;
	_ =	sdelay $0x4  }
0xca: {  	[tilespmem:s21], [sflag:$0x2] =	stream.indirect_vreg.gather [hbm4b:s2+s3], $0x80, v4, vm0, $0xb8;
	[tilespmem:$0x14680] =	vst v63  }
0xcb: {  	s24 =	simm.s32 $0x4E80;
	v3 =	vperm.xlane v3, v2  }
0xcc: {  	[tilespmem:s24], [sflag:$0x2] =	stream.indirect_vreg.gather [hbm4b:s5+s3], $0x80, v4, vm0, $0xb8;
	[tilespmem:$0x14680] =	vst v63  }
0xcd: {  	v3 =	vadd.s32 v1, v3;
	s24 =	simm.s32 $0x5680  }
0xce: {  	[tilespmem:s24], [sflag:$0x2] =	stream.indirect_vreg.gather [hbm4b:s6+s3], $0x80, v4, vm0, $0xb8;
	[tilespmem:$0x14680] =	vst v63  }
0xcf: {  	s24 =	simm.s32 $0x5E80  }
0xd0: {  	[tilespmem:s24], [sflag:$0x2] =	stream.indirect_vreg.gather [hbm4b:s7+s3], $0x80, v4, vm0, $0xb8;
	[tilespmem:$0x14680] =	vst v63  }
0xd1: {  	s24 =	simm.s32 $0x6680  }
0xd2: {  	[tilespmem:s24], [sflag:$0x2] =	stream.indirect_vreg.gather [hbm4b:s2+s3], $0x80, v3, vm0, $0xb8;
	[tilespmem:$0x14680] =	vst v63  }
0xd3: {  	s24 =	simm.s32 $0x6E80  }
0xd4: {  	[tilespmem:s24], [sflag:$0x2] =	stream.indirect_vreg.gather [hbm4b:s5+s3], $0x80, v3, vm0, $0xb8;
	[tilespmem:$0x14680] =	vst v63  }
0xd5: {  	s24 =	simm.s32 $0x7680  }
0xd6: {  	[tilespmem:s24], [sflag:$0x2] =	stream.indirect_vreg.gather [hbm4b:s6+s3], $0x80, v3, vm0, $0xb8;
	[tilespmem:$0x14680] =	vst v63  }
0xd7: {  	s24 =	simm.s32 $0x7E80  }
0xd8: {  	[tilespmem:s24], [sflag:$0x2] =	stream.indirect_vreg.gather [hbm4b:s7+s3], $0x80, v3, vm0, $0xb8;
	[tilespmem:$0x14680] =	vst v63  }
0xd9: {  	_ =	swait.ge [sflag:s15], $0x4000  }
0xda: {  	[sflag:s15] =	ssyncset.done $0x0  }
0xdb: {  	[sflag:s15] =	ssyncadd.s32 $0xFFFFC000  }
0xdc: {  	v3 =	vld [tilespmem:s18+$0xFFFFFFE0];
	_ =	sdelay $0x4  }
0xdd: {  	v61 =	vshll.u32 v3, $0x3  }
0xde: {  	v3 =	vand.u32 $0x7, v3;
	v4 =	vand.u32 $0xFFFFFFC0, v61  }
0xdf: {  	v3 =	vor.u32 v3, v4  }
0xe0: {  	v4 =	vperm.xlane v3, v0;
	_ =	sdelay $0x1  }
0xe1: {  	v4 =	vadd.s32 v1, v4;
	_ =	sdelay $0x4  }
0xe2: {  	[tilespmem:s30], [sflag:$0x3] =	stream.indirect_vreg.gather [hbm4b:s2+s3], $0x80, v4, vm0, $0xb8;
	[tilespmem:$0x14680] =	vst v63  }
0xe3: {  	s24 =	simm.s32 $0x8E80;
	v3 =	vperm.xlane v3, v2  }
0xe4: {  	[tilespmem:s24], [sflag:$0x3] =	stream.indirect_vreg.gather [hbm4b:s5+s3], $0x80, v4, vm0, $0xb8;
	[tilespmem:$0x14680] =	vst v63  }
0xe5: {  	v3 =	vadd.s32 v1, v3;
	s24 =	simm.s32 $0x9680  }
0xe6: {  	[tilespmem:s24], [sflag:$0x3] =	stream.indirect_vreg.gather [hbm4b:s6+s3], $0x80, v4, vm0, $0xb8;
	[tilespmem:$0x14680] =	vst v63  }
0xe7: {  	s24 =	simm.s32 $0x9E80  }
0xe8: {  	[tilespmem:s24], [sflag:$0x3] =	stream.indirect_vreg.gather [hbm4b:s7+s3], $0x80, v4, vm0, $0xb8;
	[tilespmem:$0x14680] =	vst v63  }
0xe9: {  	s24 =	simm.s32 $0xA680  }
0xea: {  	[tilespmem:s24], [sflag:$0x3] =	stream.indirect_vreg.gather [hbm4b:s2+s3], $0x80, v3, vm0, $0xb8;
	[tilespmem:$0x14680] =	vst v63  }
0xeb: {  	s24 =	simm.s32 $0xAE80  }
0xec: {  	[tilespmem:s24], [sflag:$0x3] =	stream.indirect_vreg.gather [hbm4b:s5+s3], $0x80, v3, vm0, $0xb8;
	[tilespmem:$0x14680] =	vst v63  }
0xed: {  	s24 =	simm.s32 $0xB680  }
0xee: {  	[tilespmem:s24], [sflag:$0x3] =	stream.indirect_vreg.gather [hbm4b:s6+s3], $0x80, v3, vm0, $0xb8;
	[tilespmem:$0x14680] =	vst v63  }
0xef: {  	s24 =	simm.s32 $0xBE80  }
0xf0: {  	[tilespmem:s24], [sflag:$0x3] =	stream.indirect_vreg.gather [hbm4b:s7+s3], $0x80, v3, vm0, $0xb8;
	[tilespmem:$0x14680] =	vst v63  }
0xf1: {  	_ =	swait.ge [sflag:s16], $0x4000  }
0xf2: {  	[sflag:s16] =	ssyncset.done $0x0  }
0xf3: {  	s24 =	sand.u32 $0xFF0, s19;
	[sflag:s16] =	ssyncadd.s32 $0xFFFFC000  }
0xf4: {  	v3 =	vld [tilespmem:s24+$0x80];
	_ =	sdelay $0x4  }
0xf5: {  	v62 =	vshll.u32 v3, $0x3  }
0xf6: {  	v3 =	vand.u32 $0x7, v3;
	v4 =	vand.u32 $0xFFFFFFC0, v62  }
0xf7: {  	v3 =	vor.u32 v3, v4  }
0xf8: {  	v4 =	vperm.xlane v3, v0;
	_ =	sdelay $0x1  }
0xf9: {  	v4 =	vadd.s32 v1, v4;
	_ =	sdelay $0x4  }
0xfa: {  	[tilespmem:s12], [sflag:$0x4] =	stream.indirect_vreg.gather [hbm4b:s2+s3], $0x80, v4, vm0, $0xb8;
	[tilespmem:$0x14680] =	vst v63  }
0xfb: {  	s24 =	simm.s32 $0xCE80;
	v3 =	vperm.xlane v3, v2  }
0xfc: {  	[tilespmem:s24], [sflag:$0x4] =	stream.indirect_vreg.gather [hbm4b:s5+s3], $0x80, v4, vm0, $0xb8;
	[tilespmem:$0x14680] =	vst v63  }
0xfd: {  	v3 =	vadd.s32 v1, v3;
	s24 =	simm.s32 $0xD680  }
0xfe: {  	[tilespmem:s24], [sflag:$0x4] =	stream.indirect_vreg.gather [hbm4b:s6+s3], $0x80, v4, vm0, $0xb8;
	[tilespmem:$0x14680] =	vst v63  }
0xff: {  	s24 =	simm.s32 $0xDE80  }
0x100: {  	[tilespmem:s24], [sflag:$0x4] =	stream.indirect_vreg.gather [hbm4b:s7+s3], $0x80, v4, vm0, $0xb8;
	[tilespmem:$0x14680] =	vst v63  }
0x101: {  	s24 =	simm.s32 $0xE680  }
0x102: {  	[tilespmem:s24], [sflag:$0x4] =	stream.indirect_vreg.gather [hbm4b:s2+s3], $0x80, v3, vm0, $0xb8;
	[tilespmem:$0x14680] =	vst v63  }
0x103: {  	s24 =	simm.s32 $0xEE80  }
0x104: {  	[tilespmem:s24], [sflag:$0x4] =	stream.indirect_vreg.gather [hbm4b:s5+s3], $0x80, v3, vm0, $0xb8;
	[tilespmem:$0x14680] =	vst v63  }
0x105: {  	s24 =	simm.s32 $0xF680  }
0x106: {  	[tilespmem:s24], [sflag:$0x4] =	stream.indirect_vreg.gather [hbm4b:s6+s3], $0x80, v3, vm0, $0xb8;
	[tilespmem:$0x14680] =	vst v63  }
0x107: {  	s24 =	simm.s32 $0xFE80  }
0x108: {  	[tilespmem:s24], [sflag:$0x4] =	stream.indirect_vreg.gather [hbm4b:s7+s3], $0x80, v3, vm0, $0xb8;
	[tilespmem:$0x14680] =	vst v63  }
0x109: {  	_ =	swait.ge [sflag:s17], $0x4000  }
0x10a: {  	[sflag:s17] =	ssyncset.done $0x0  }
0x10b: {  	[sflag:s17] =	ssyncadd.s32 $0xFFFFC000  }
0x10c: {  	v3 =	vld [tilespmem:s18+$0x0];
	_ =	sdelay $0x4  }
0x10d: {  	v63 =	vshll.u32 v3, $0x3  }
0x10e: {  	v3 =	vand.u32 $0x7, v3;
	v4 =	vand.u32 $0xFFFFFFC0, v63  }
0x10f: {  	v3 =	vor.u32 v3, v4  }
0x110: {  	v4 =	vperm.xlane v3, v0;
	_ =	sdelay $0x1  }
0x111: {  	v4 =	vadd.s32 v1, v4;
	_ =	sdelay $0x4  }
0x112: {  	[tilespmem:s22], [sflag:$0x5] =	stream.indirect_vreg.gather [hbm4b:s2+s3], $0x80, v4, vm0, $0xb8;
	[tilespmem:$0x14680] =	vst v63  }
0x113: {  	s24 =	simm.s32 $0x10E80;
	v3 =	vperm.xlane v3, v2  }
0x114: {  	[tilespmem:s24], [sflag:$0x5] =	stream.indirect_vreg.gather [hbm4b:s5+s3], $0x80, v4, vm0, $0xb8;
	[tilespmem:$0x14680] =	vst v63  }
0x115: {  	v3 =	vadd.s32 v1, v3;
	s24 =	simm.s32 $0x11680  }
0x116: {  	[tilespmem:s24], [sflag:$0x5] =	stream.indirect_vreg.gather [hbm4b:s6+s3], $0x80, v4, vm0, $0xb8;
	[tilespmem:$0x14680] =	vst v63  }
0x117: {  	_ = 	snop  }
0x118: {  	[tilespmem:s25], [sflag:$0x5] =	stream.indirect_vreg.gather [hbm4b:s7+s3], $0x80, v4, vm0, $0xb8;
	[tilespmem:$0x14680] =	vst v63  }
0x119: {  	_ = 	snop  }
0x11a: {  	[tilespmem:s26], [sflag:$0x5] =	stream.indirect_vreg.gather [hbm4b:s2+s3], $0x80, v3, vm0, $0xb8;
	[tilespmem:$0x14680] =	vst v63  }
0x11b: {  	_ = 	snop  }
0x11c: {  	[tilespmem:s28], [sflag:$0x5] =	stream.indirect_vreg.gather [hbm4b:s5+s3], $0x80, v3, vm0, $0xb8;
	[tilespmem:$0x14680] =	vst v63  }
.Ltmp3:
0x11d: {  	_ = 	snop;
	(pc) =	sbr.rel .LBB2_2-.Ltmp3, $4  }
0x11e: {  	_ = 	snop  }
0x11f: {  	[tilespmem:s29], [sflag:$0x5] =	stream.indirect_vreg.gather [hbm4b:s6+s3], $0x80, v3, vm0, $0xb8;
	[tilespmem:$0x14680] =	vst v63  }
0x120: {  	s20 =	sadd.s32 $0x2800, s20;
	s19 =	sadd.s32 $0x50, s19;
	s18 =	sadd.s32 $0x50, s18  }
0x121: {  	[tilespmem:s31], [sflag:$0x5] =	stream.indirect_vreg.gather [hbm4b:s7+s3], $0x80, v3, vm0, $0xb8;
	[tilespmem:$0x14680] =	vst v63  }
.LBB2_5:
0x122: {  	_ =	sfence.sel $0x180000  }
0x123: {  	[bflag:$0x0] =	sbarrier.arrive $0xFFFF  }
0x124: {  	_ =	strace $0x90000047  }
0x125: {  	s0 =	stileid.u32;
	[bflag:$0x2] =	sbarrier.arrive $0xFFFF  }
0x126: {  	p0 =	sne.s32 s0, $0x0;
	s0 =	rddreg [dreg:$0x3]  }
0x127: {  	s0 =	sadd.s32 @!p0 $0x100000, s0  }
0x128: {  	[sflag:s0] =	ssyncadd.tile.s32 @!p0 $0x1;
	_ =	shalt  }
.Lfunc_end2:
_tile_overlayer_lowered:
.L_overlay_start_2:
0x129: {  	(tag) =	ssettag $0x2  }
0x12a: {  	s0 =	rddreg [dreg:$0x0];
	s2 =	stileid.u32  }
0x12b: {  	s1 =	rddreg [dreg:$0x1];
	p0 =	sne.s32 s2, $0x0  }
0x12c: {  	s3 =	rddreg [dreg:$0x2];
	[bflag:$0x3] =	sbarrier.arrive $0xFFFF;
	s2 =	simm.s32 @!p0 $0x1C0B  }
0x12d: {  	[timem:s3], [sflag:s2] =	dma.local @!p0 [hbm:s0], s1  }
0x12e: {  	s0 =	simm.s32 @!p0 $0xB  }
0x12f: {  	_ =	swait.ge @!p0 [sflag:s0], s1  }
0x130: {  	s1 =	ssub.s32 @!p0 $0x0, s1;
	[sflag:s0] =	ssyncset.done @!p0 $0x0  }
0x131: {  	[sflag:s0] =	ssyncadd.s32 @!p0 s1  }
0x132: {  	[bflag:$0x3] =	sbarrier.arrive $0xFFFF  }
0x133: {  	_ =	shalt  }

</sc_bundles>
